<compile_context>
chip_gen: v7x
topology: tpu7x:2x2x1
jax: 0.10.2.dev20260603
libtpu: 0.0.44.dev20260713+nightly
codegen_flags: <defaults>
</compile_context>

<pallas_src>
import functools
import math

import numpy as np
import jax
import jax.numpy as jnp
from jax import lax
from jax.experimental import pallas as pl
from jax.experimental.pallas import tpu as pltpu
from jax.experimental.pallas import tpu_sc as plsc

N_FIELDS = 26
VOCAB = 100000
EMBED = 32
BATCH = 4096

NUM_CORES = 2
NUM_SUBCORES = 16
NW = NUM_CORES * NUM_SUBCORES
B_PER_W = BATCH // NW
ROWS_PER_W = B_PER_W * N_FIELDS
CHUNK = 128
N_CHUNKS = ROWS_PER_W // CHUNK
LANES = 16
N_VEC = ROWS_PER_W // LANES


def _make_pe(d_model: int, max_len: int) -> np.ndarray:
    position = np.arange(max_len, dtype=np.float32)[:, None]
    div_term = np.exp(
        np.arange(0, d_model, 2, dtype=np.float32) * (-math.log(10000.0) / d_model)
    )
    pe = np.zeros((max_len, d_model), dtype=np.float32)
    pe[:, 0::2] = np.sin(position * div_term)
    pe[:, 1::2] = np.cos(position * div_term)
    return pe


_PE = _make_pe(EMBED, BATCH)

_mesh = plsc.VectorSubcoreMesh(core_axis_name="c", subcore_axis_name="s")


@functools.partial(
    pl.kernel,
    mesh=_mesh,
    out_type=jax.ShapeDtypeStruct((BATCH * N_FIELDS, EMBED), jnp.float32),
    scratch_types=[
        pltpu.VMEM((N_CHUNKS, CHUNK), jnp.int32),
        pltpu.VMEM((ROWS_PER_W, EMBED), jnp.float32),
        pltpu.VMEM((B_PER_W, EMBED), jnp.float32),
        pltpu.SemaphoreType.DMA,
    ],
    compiler_params=pltpu.CompilerParams(use_tc_tiling_on_sc=False),
)
def _emb_kernel(cat_hbm, w_hbm, pe_hbm, out_hbm, idx_v, rows_v, pe_v, sem):
    wid = lax.axis_index("s") * NUM_CORES + lax.axis_index("c")

    pltpu.sync_copy(cat_hbm.at[wid], idx_v)
    pltpu.sync_copy(pe_hbm.at[pl.ds(wid * B_PER_W, B_PER_W)], pe_v)

    def off_body(k, carry):
        row = k // (CHUNK // LANES)
        col = (k % (CHUNK // LANES)) * LANES
        pos0 = k * LANES
        fields = (pos0 + lax.iota(jnp.int32, LANES)) % N_FIELDS
        cur = idx_v[row, pl.ds(col, LANES)]
        idx_v[row, pl.ds(col, LANES)] = cur + fields * VOCAB
        return carry

    lax.fori_loop(0, N_VEC, off_body, 0)

    copies = []
    for c in range(N_CHUNKS):
        copies.append(
            pltpu.async_copy(
                w_hbm.at[idx_v.at[c]], rows_v.at[pl.ds(c * CHUNK, CHUNK)], sem
            )
        )
    for cp in copies:
        cp.wait()

    def add_body(b, carry):
        p0 = pe_v[b, pl.ds(0, LANES)]
        p1 = pe_v[b, pl.ds(LANES, LANES)]
        r0 = b * N_FIELDS
        for i in range(N_FIELDS):
            plsc.addupdate(rows_v.at[r0 + i, pl.ds(0, LANES)], p0)
            plsc.addupdate(rows_v.at[r0 + i, pl.ds(LANES, LANES)], p1)
        return carry

    lax.fori_loop(0, B_PER_W, add_body, 0)

    pltpu.sync_copy(rows_v, out_hbm.at[pl.ds(wid * ROWS_PER_W, ROWS_PER_W)])


def kernel(cat_features, W):
    cat2 = cat_features.reshape(NW, N_CHUNKS, CHUNK).astype(jnp.int32)
    w_flat = W.reshape(N_FIELDS * VOCAB, EMBED)
    out = _emb_kernel(cat2, w_flat, jnp.asarray(_PE))
    return out.reshape(BATCH, N_FIELDS * EMBED)

# --- scband reference (transcript-rebuilt; emitter-appended) ---
"""Pipeline reference for scband-embedding-30236569764270 (READ-ONLY COPY).

The authoritative reference and input builder live on the scoring server;
editing this copy changes nothing except your own understanding.
"""

import math
import jax, jax.numpy as jnp
import numpy as np

N_FIELDS = 26
VOCAB = 100000  # vocab_range[1]-vocab_range[0]+2 = 99998-0+2
EMBED = 32
BATCH = 4096


def make_pe(d_model, max_len):
    position = np.arange(max_len, dtype=np.float32)[:, None]
    div_term = np.exp(np.arange(0, d_model, 2, dtype=np.float32) * (-math.log(10000.0) / d_model))
    pe = np.zeros((max_len, d_model), dtype=np.float32)
    pe[:, 0::2] = np.sin(position * div_term)
    pe[:, 1::2] = np.cos(position * div_term)
    return jnp.asarray(pe)


def setup_inputs(seed: int = 0) -> dict:
    key = jax.random.key(seed)
    k1, k2 = jax.random.split(key)
    cat_features = jax.random.randint(k1, (BATCH, N_FIELDS), 0, VOCAB)
    # 26 embedding tables, all [VOCAB, EMBED]; stacked into one array.
    # Matches nn.Embedding default init N(0, 1).
    W = jax.random.normal(k2, (N_FIELDS, VOCAB, EMBED), dtype=jnp.float32)
    return {"cat_features": cat_features, "W": W}


def reference(cat_features, W):
    B = cat_features.shape[0]
    pe = make_pe(EMBED, VOCAB)  # PositionalEncoding buffer (same dims for all fields)
    pe_b = pe[:B]
    res = []
    for i in range(N_FIELDS):
        emb = jnp.take(W[i], cat_features[:, i], axis=0)  # embedding lookup
        res.append(emb + pe_b)                            # positional encoding add
    return jnp.concatenate(res, axis=1)

if __name__ == "__main__":
    import jax
    _d = setup_inputs()
    print(jax.jit(kernel)(*tuple(_d.values())))

</pallas_src>

<mosaic_0001>
#map = affine_map<(d0, d1) -> (0, 0, 0)>
#map1 = affine_map<(d0, d1) -> (0, 0)>
module attributes {stable_mosaic.version = 14 : i64} {
  func.func @_emb_kernel(%arg0: i32, %arg1: i32, %arg2: memref<32x26x128xi32, #tpu.memory_space<hbm>>, %arg3: memref<2600000x32xf32, #tpu.memory_space<hbm>>, %arg4: memref<4096x32xf32, #tpu.memory_space<hbm>>, %arg5: memref<106496x32xf32, #tpu.memory_space<hbm>>, %arg6: memref<26x128xi32, #tpu.memory_space<vmem>>, %arg7: memref<3328x32xf32, #tpu.memory_space<vmem>>, %arg8: memref<128x32xf32, #tpu.memory_space<vmem>>, %arg9: memref<!tpu.dma_semaphore, #tpu.memory_space<semaphore_mem>>) attributes {dimension_semantics = [#tpu.dimension_semantics<core_parallel>, #tpu.dimension_semantics<subcore_parallel>], iteration_bounds = array<i64: 2, 16>, scalar_prefetch = 0 : i64, scratch_operands = 4 : i64, tpu.core_type = #tpu.core_type<sc_vector_subcore>, window_params = [{transform_indices = #map}, {transform_indices = #map1}, {transform_indices = #map1}, {transform_indices = #map1}]} {
    %mul3A = arith.constant 2 : i32
    %mul3A_0 = arith.muli %arg1, %mul3A : i32
    %add3A = arith.addi %mul3A_0, %arg0 : i32
    "tpu.region"() ({
      %run_scoped3A = tpu.sem_alloc : memref<!tpu.dma_semaphore, #tpu.memory_space<semaphore_mem>>
      %dma_start3A_534 = arith.constant 0 : i32
      %dma_start3A_535 = arith.constant 0 : i32
      %dma_start3A_536 = tpu.memref_slice %arg2[%add3A, %dma_start3A_534, %dma_start3A_535] : memref<32x26x128xi32, #tpu.memory_space<hbm>> -> memref<1x26x128xi32, #tpu.memory_space<hbm>>
      %dma_start3A_537 = tpu.memref_squeeze %dma_start3A_536 : memref<1x26x128xi32, #tpu.memory_space<hbm>> -> memref<26x128xi32, #tpu.memory_space<hbm>>
      %dma_start3A_538 = arith.constant 0 : i32
      %dma_start3A_539 = arith.constant 0 : i32
      %dma_start3A_540 = tpu.memref_slice %arg2[%add3A, %dma_start3A_538, %dma_start3A_539] : memref<32x26x128xi32, #tpu.memory_space<hbm>> -> memref<1x26x128xi32, #tpu.memory_space<hbm>>
      %dma_start3A_541 = tpu.memref_squeeze %dma_start3A_540 : memref<1x26x128xi32, #tpu.memory_space<hbm>> -> memref<26x128xi32, #tpu.memory_space<hbm>>
      tpu.enqueue_dma source(%dma_start3A_541 : memref<26x128xi32, #tpu.memory_space<hbm>>) target(%arg6 : memref<26x128xi32, #tpu.memory_space<vmem>>) target_semaphore(%run_scoped3A : memref<!tpu.dma_semaphore, #tpu.memory_space<semaphore_mem>>)
      %dma_wait3A_542 = arith.constant 0 : i32
      %dma_wait3A_543 = arith.constant 0 : i32
      %dma_wait3A_544 = tpu.memref_slice %arg2[%add3A, %dma_wait3A_542, %dma_wait3A_543] : memref<32x26x128xi32, #tpu.memory_space<hbm>> -> memref<1x26x128xi32, #tpu.memory_space<hbm>>
      %dma_wait3A_545 = tpu.memref_squeeze %dma_wait3A_544 : memref<1x26x128xi32, #tpu.memory_space<hbm>> -> memref<26x128xi32, #tpu.memory_space<hbm>>
      %dma_wait3A_546 = arith.constant 0 : i32
      %dma_wait3A_547 = arith.constant 0 : i32
      %dma_wait3A_548 = tpu.memref_slice %arg2[%add3A, %dma_wait3A_546, %dma_wait3A_547] : memref<32x26x128xi32, #tpu.memory_space<hbm>> -> memref<1x26x128xi32, #tpu.memory_space<hbm>>
      %dma_wait3A_549 = tpu.memref_squeeze %dma_wait3A_548 : memref<1x26x128xi32, #tpu.memory_space<hbm>> -> memref<26x128xi32, #tpu.memory_space<hbm>>
      tpu.wait_dma2 semaphore(%run_scoped3A : memref<!tpu.dma_semaphore, #tpu.memory_space<semaphore_mem>>) src(%dma_wait3A_549 : memref<26x128xi32, #tpu.memory_space<hbm>>) dst(%arg6 : memref<26x128xi32, #tpu.memory_space<vmem>>)
      tpu.yield
    }) : () -> ()
    %mul3A_1 = arith.constant 128 : i32
    %mul3A_2 = arith.muli %add3A, %mul3A_1 : i32
    "tpu.region"() ({
      %run_scoped3A = tpu.sem_alloc : memref<!tpu.dma_semaphore, #tpu.memory_space<semaphore_mem>>
      %dma_start3A_534 = arith.constant 0 : i32
      %dma_start3A_535 = tpu.memref_slice %arg4[%mul3A_2, %dma_start3A_534] : memref<4096x32xf32, #tpu.memory_space<hbm>> -> memref<128x32xf32, #tpu.memory_space<hbm>>
      %dma_start3A_536 = arith.constant 0 : i32
      %dma_start3A_537 = tpu.memref_slice %arg4[%mul3A_2, %dma_start3A_536] : memref<4096x32xf32, #tpu.memory_space<hbm>> -> memref<128x32xf32, #tpu.memory_space<hbm>>
      tpu.enqueue_dma source(%dma_start3A_537 : memref<128x32xf32, #tpu.memory_space<hbm>>) target(%arg8 : memref<128x32xf32, #tpu.memory_space<vmem>>) target_semaphore(%run_scoped3A : memref<!tpu.dma_semaphore, #tpu.memory_space<semaphore_mem>>)
      %dma_wait3A_538 = arith.constant 0 : i32
      %dma_wait3A_539 = tpu.memref_slice %arg4[%mul3A_2, %dma_wait3A_538] : memref<4096x32xf32, #tpu.memory_space<hbm>> -> memref<128x32xf32, #tpu.memory_space<hbm>>
      %dma_wait3A_540 = arith.constant 0 : i32
      %dma_wait3A_541 = tpu.memref_slice %arg4[%mul3A_2, %dma_wait3A_540] : memref<4096x32xf32, #tpu.memory_space<hbm>> -> memref<128x32xf32, #tpu.memory_space<hbm>>
      tpu.wait_dma2 semaphore(%run_scoped3A : memref<!tpu.dma_semaphore, #tpu.memory_space<semaphore_mem>>) src(%dma_wait3A_541 : memref<128x32xf32, #tpu.memory_space<hbm>>) dst(%arg8 : memref<128x32xf32, #tpu.memory_space<vmem>>)
      tpu.yield
    }) : () -> ()
    %scan3A = arith.constant 0 : i32
    %scan3A_3 = arith.constant 0 : i32
    %scan3A_4 = arith.constant 208 : i32
    %scan3A_5 = arith.addi %scan3A_3, %scan3A_4 : i32
    %scan3A_6 = arith.constant 1 : i32
    scf.for %scan3A_534 = %scan3A_3 to %scan3A_5 step %scan3A_6  : i32 {
      %jit3A = arith.constant 8 : i32
      %div3A = arith.divsi %scan3A_534, %jit3A : i32
      %sign3A = arith.constant 0 : i32
      %sign3A_535 = arith.cmpi sgt, %scan3A_534, %sign3A : i32
      %sign3A_536 = arith.extui %sign3A_535 : i1 to i32
      %sign3A_537 = arith.constant 0 : i32
      %sign3A_538 = arith.cmpi slt, %scan3A_534, %sign3A_537 : i32
      %sign3A_539 = arith.extui %sign3A_538 : i1 to i32
      %sign3A_540 = arith.subi %sign3A_536, %sign3A_539 : i32
      %sign3A_541 = arith.constant 0 : i32
      %sign3A_542 = arith.cmpi sgt, %jit3A, %sign3A_541 : i32
      %sign3A_543 = arith.extui %sign3A_542 : i1 to i32
      %sign3A_544 = arith.constant 0 : i32
      %sign3A_545 = arith.cmpi slt, %jit3A, %sign3A_544 : i32
      %sign3A_546 = arith.extui %sign3A_545 : i1 to i32
      %sign3A_547 = arith.subi %sign3A_543, %sign3A_546 : i32
      %ne3A = arith.cmpi ne, %sign3A_540, %sign3A_547 : i32
      %rem3A = arith.remsi %scan3A_534, %jit3A : i32
      %ne3A_548 = arith.constant 0 : i32
      %ne3A_549 = arith.cmpi ne, %rem3A, %ne3A_548 : i32
      %and3A = arith.andi %ne3A, %ne3A_549 : i1
      %sub3A = arith.constant 1 : i32
      %sub3A_550 = arith.subi %div3A, %sub3A : i32
      %select_n3A = arith.select %and3A, %sub3A_550, %div3A : i32
      %jit3A_551 = arith.constant 8 : i32
      %eq3A = arith.constant 0 : i32
      %eq3A_552 = arith.cmpi eq, %jit3A_551, %eq3A : i32
      %jit3A_553 = arith.constant 1 : i32
      %select_n3A_554 = arith.select %eq3A_552, %jit3A_553, %jit3A_551 : i32
      %rem3A_555 = arith.remsi %scan3A_534, %select_n3A_554 : i32
      %ne3A_556 = arith.constant 0 : i32
      %ne3A_557 = arith.cmpi ne, %rem3A_555, %ne3A_556 : i32
      %lt3A = arith.constant 0 : i32
      %lt3A_558 = arith.cmpi slt, %rem3A_555, %lt3A : i32
      %lt3A_559 = arith.constant 0 : i32
      %lt3A_560 = arith.cmpi slt, %select_n3A_554, %lt3A_559 : i32
      %ne3A_561 = arith.xori %lt3A_558, %lt3A_560 : i1
      %and3A_562 = arith.andi %ne3A_561, %ne3A_557 : i1
      %add3A_563 = arith.addi %rem3A_555, %select_n3A_554 : i32
      %select_n3A_564 = arith.select %and3A_562, %add3A_563, %rem3A_555 : i32
      %mul3A_565 = arith.constant 16 : i32
      %mul3A_566 = arith.muli %select_n3A_564, %mul3A_565 : i32
      %mul3A_567 = arith.constant 16 : i32
      %mul3A_568 = arith.muli %scan3A_534, %mul3A_567 : i32
      %iota3A = tpu.iota {dimensions = array<i32: 0>} : vector<16xi32>
      %add3A_569 = vector.broadcast %mul3A_568 : i32 to vector<16xi32>
      %add3A_570 = arith.addi %add3A_569, %iota3A : vector<16xi32>
      %jit3A_571 = arith.constant 26 : i32
      %eq3A_572 = arith.constant 0 : i32
      %eq3A_573 = arith.cmpi eq, %jit3A_571, %eq3A_572 : i32
      %jit3A_574 = arith.constant 1 : i32
      %select_n3A_575 = arith.select %eq3A_573, %jit3A_574, %jit3A_571 : i32
      %rem3A_576 = vector.broadcast %select_n3A_575 : i32 to vector<16xi32>
      %rem3A_577 = arith.remsi %add3A_570, %rem3A_576 : vector<16xi32>
      %ne3A_578 = arith.constant 0 : i32
      %ne3A_579 = vector.broadcast %ne3A_578 : i32 to vector<16xi32>
      %ne3A_580 = arith.cmpi ne, %rem3A_577, %ne3A_579 : vector<16xi32>
      %lt3A_581 = arith.constant 0 : i32
      %lt3A_582 = vector.broadcast %lt3A_581 : i32 to vector<16xi32>
      %lt3A_583 = arith.cmpi slt, %rem3A_577, %lt3A_582 : vector<16xi32>
      %lt3A_584 = arith.constant 0 : i32
      %lt3A_585 = arith.cmpi slt, %select_n3A_575, %lt3A_584 : i32
      %ne3A_586 = vector.broadcast %lt3A_585 : i1 to vector<16xi1>
      %ne3A_587 = vector.broadcast %ne3A_586 : vector<16xi1> to vector<16xi1>
      %ne3A_588 = arith.xori %lt3A_583, %ne3A_587 : vector<16xi1>
      %and3A_589 = arith.andi %ne3A_588, %ne3A_580 : vector<16xi1>
      %add3A_590 = vector.broadcast %select_n3A_575 : i32 to vector<16xi32>
      %add3A_591 = arith.addi %rem3A_577, %add3A_590 : vector<16xi32>
      %select_n3A_592 = arith.select %and3A_589, %add3A_591, %rem3A_577 : vector<16xi1>, vector<16xi32>
      %get3A = arith.index_cast %select_n3A : i32 to index
      %get3A_593 = arith.index_cast %mul3A_566 : i32 to index
      %get3A_594 = tpu.vector_load %arg6[%get3A, %get3A_593] {strides = array<i32>} : memref<26x128xi32, #tpu.memory_space<vmem>>, vector<1x16xi32>,
      %get3A_595 = vector.shape_cast %get3A_594 : vector<1x16xi32> to vector<16xi32>
      %mul3A_596 = arith.constant 100000 : i32
      %mul3A_597 = vector.broadcast %mul3A_596 : i32 to vector<16xi32>
      %mul3A_598 = arith.muli %select_n3A_592, %mul3A_597 : vector<16xi32>
      %add3A_599 = arith.addi %get3A_595, %mul3A_598 : vector<16xi32>
      %swap3A = arith.index_cast %select_n3A : i32 to index
      %swap3A_600 = arith.index_cast %mul3A_566 : i32 to index
      %swap3A_601 = tpu.vector_load %arg6[%swap3A, %swap3A_600] {strides = array<i32>} : memref<26x128xi32, #tpu.memory_space<vmem>>, vector<1x16xi32>,
      %swap3A_602 = vector.shape_cast %swap3A_601 : vector<1x16xi32> to vector<16xi32>
      %swap3A_603 = vector.shape_cast %add3A_599 : vector<16xi32> to vector<1x16xi32>
      tpu.vector_store %arg6[%swap3A, %swap3A_600], %swap3A_603 {strides = array<i32>} : memref<26x128xi32, #tpu.memory_space<vmem>>, vector<1x16xi32>,
    }
    %scan3A_7 = arith.constant 208 : i32
    %dma_start3A = arith.constant 0 : i32
    %dma_start3A_8 = arith.constant 0 : i32
    %dma_start3A_9 = arith.constant 0 : i32
    %dma_start3A_10 = tpu.memref_slice %arg7[%dma_start3A_8, %dma_start3A_9] : memref<3328x32xf32, #tpu.memory_space<vmem>> -> memref<128x32xf32, #tpu.memory_space<vmem>>
    %dma_start3A_11 = arith.constant 0 : i32
    %dma_start3A_12 = tpu.memref_slice %arg6[%dma_start3A, %dma_start3A_11] : memref<26x128xi32, #tpu.memory_space<vmem>> -> memref<1x128xi32, #tpu.memory_space<vmem>>
    %dma_start3A_13 = tpu.memref_squeeze %dma_start3A_12 : memref<1x128xi32, #tpu.memory_space<vmem>> -> memref<128xi32, #tpu.memory_space<vmem>>
    %dma_start3A_14 = arith.constant 0 : i32
    %dma_start3A_15 = arith.constant 0 : i32
    %dma_start3A_16 = tpu.memref_slice %arg3[%dma_start3A_14, %dma_start3A_15] : memref<2600000x32xf32, #tpu.memory_space<hbm>> -> memref<2600000x32xf32, #tpu.memory_space<hbm>>
    tpu.enqueue_indirect_dma source(%dma_start3A_16 : memref<2600000x32xf32, #tpu.memory_space<hbm>>) target(%dma_start3A_10 : memref<128x32xf32, #tpu.memory_space<vmem>>) offsets(%dma_start3A_13 : memref<128xi32, #tpu.memory_space<vmem>>) semaphore(%arg9 : memref<!tpu.dma_semaphore, #tpu.memory_space<semaphore_mem>>)
    %dma_start3A_17 = arith.constant 1 : i32
    %dma_start3A_18 = arith.constant 128 : i32
    %dma_start3A_19 = arith.constant 0 : i32
    %dma_start3A_20 = tpu.memref_slice %arg7[%dma_start3A_18, %dma_start3A_19] : memref<3328x32xf32, #tpu.memory_space<vmem>> -> memref<128x32xf32, #tpu.memory_space<vmem>>
    %dma_start3A_21 = arith.constant 0 : i32
    %dma_start3A_22 = tpu.memref_slice %arg6[%dma_start3A_17, %dma_start3A_21] : memref<26x128xi32, #tpu.memory_space<vmem>> -> memref<1x128xi32, #tpu.memory_space<vmem>>
    %dma_start3A_23 = tpu.memref_squeeze %dma_start3A_22 : memref<1x128xi32, #tpu.memory_space<vmem>> -> memref<128xi32, #tpu.memory_space<vmem>>
    %dma_start3A_24 = arith.constant 0 : i32
    %dma_start3A_25 = arith.constant 0 : i32
    %dma_start3A_26 = tpu.memref_slice %arg3[%dma_start3A_24, %dma_start3A_25] : memref<2600000x32xf32, #tpu.memory_space<hbm>> -> memref<2600000x32xf32, #tpu.memory_space<hbm>>
    tpu.enqueue_indirect_dma source(%dma_start3A_26 : memref<2600000x32xf32, #tpu.memory_space<hbm>>) target(%dma_start3A_20 : memref<128x32xf32, #tpu.memory_space<vmem>>) offsets(%dma_start3A_23 : memref<128xi32, #tpu.memory_space<vmem>>) semaphore(%arg9 : memref<!tpu.dma_semaphore, #tpu.memory_space<semaphore_mem>>)
    %dma_start3A_27 = arith.constant 2 : i32
    %dma_start3A_28 = arith.constant 256 : i32
    %dma_start3A_29 = arith.constant 0 : i32
    %dma_start3A_30 = tpu.memref_slice %arg7[%dma_start3A_28, %dma_start3A_29] : memref<3328x32xf32, #tpu.memory_space<vmem>> -> memref<128x32xf32, #tpu.memory_space<vmem>>
    %dma_start3A_31 = arith.constant 0 : i32
    %dma_start3A_32 = tpu.memref_slice %arg6[%dma_start3A_27, %dma_start3A_31] : memref<26x128xi32, #tpu.memory_space<vmem>> -> memref<1x128xi32, #tpu.memory_space<vmem>>
    %dma_start3A_33 = tpu.memref_squeeze %dma_start3A_32 : memref<1x128xi32, #tpu.memory_space<vmem>> -> memref<128xi32, #tpu.memory_space<vmem>>
    %dma_start3A_34 = arith.constant 0 : i32
    %dma_start3A_35 = arith.constant 0 : i32
    %dma_start3A_36 = tpu.memref_slice %arg3[%dma_start3A_34, %dma_start3A_35] : memref<2600000x32xf32, #tpu.memory_space<hbm>> -> memref<2600000x32xf32, #tpu.memory_space<hbm>>
    tpu.enqueue_indirect_dma source(%dma_start3A_36 : memref<2600000x32xf32, #tpu.memory_space<hbm>>) target(%dma_start3A_30 : memref<128x32xf32, #tpu.memory_space<vmem>>) offsets(%dma_start3A_33 : memref<128xi32, #tpu.memory_space<vmem>>) semaphore(%arg9 : memref<!tpu.dma_semaphore, #tpu.memory_space<semaphore_mem>>)
    %dma_start3A_37 = arith.constant 3 : i32
    %dma_start3A_38 = arith.constant 384 : i32
    %dma_start3A_39 = arith.constant 0 : i32
    %dma_start3A_40 = tpu.memref_slice %arg7[%dma_start3A_38, %dma_start3A_39] : memref<3328x32xf32, #tpu.memory_space<vmem>> -> memref<128x32xf32, #tpu.memory_space<vmem>>
    %dma_start3A_41 = arith.constant 0 : i32
    %dma_start3A_42 = tpu.memref_slice %arg6[%dma_start3A_37, %dma_start3A_41] : memref<26x128xi32, #tpu.memory_space<vmem>> -> memref<1x128xi32, #tpu.memory_space<vmem>>
    %dma_start3A_43 = tpu.memref_squeeze %dma_start3A_42 : memref<1x128xi32, #tpu.memory_space<vmem>> -> memref<128xi32, #tpu.memory_space<vmem>>
    %dma_start3A_44 = arith.constant 0 : i32
    %dma_start3A_45 = arith.constant 0 : i32
    %dma_start3A_46 = tpu.memref_slice %arg3[%dma_start3A_44, %dma_start3A_45] : memref<2600000x32xf32, #tpu.memory_space<hbm>> -> memref<2600000x32xf32, #tpu.memory_space<hbm>>
    tpu.enqueue_indirect_dma source(%dma_start3A_46 : memref<2600000x32xf32, #tpu.memory_space<hbm>>) target(%dma_start3A_40 : memref<128x32xf32, #tpu.memory_space<vmem>>) offsets(%dma_start3A_43 : memref<128xi32, #tpu.memory_space<vmem>>) semaphore(%arg9 : memref<!tpu.dma_semaphore, #tpu.memory_space<semaphore_mem>>)
    %dma_start3A_47 = arith.constant 4 : i32
    %dma_start3A_48 = arith.constant 512 : i32
    %dma_start3A_49 = arith.constant 0 : i32
    %dma_start3A_50 = tpu.memref_slice %arg7[%dma_start3A_48, %dma_start3A_49] : memref<3328x32xf32, #tpu.memory_space<vmem>> -> memref<128x32xf32, #tpu.memory_space<vmem>>
    %dma_start3A_51 = arith.constant 0 : i32
    %dma_start3A_52 = tpu.memref_slice %arg6[%dma_start3A_47, %dma_start3A_51] : memref<26x128xi32, #tpu.memory_space<vmem>> -> memref<1x128xi32, #tpu.memory_space<vmem>>
    %dma_start3A_53 = tpu.memref_squeeze %dma_start3A_52 : memref<1x128xi32, #tpu.memory_space<vmem>> -> memref<128xi32, #tpu.memory_space<vmem>>
    %dma_start3A_54 = arith.constant 0 : i32
    %dma_start3A_55 = arith.constant 0 : i32
    %dma_start3A_56 = tpu.memref_slice %arg3[%dma_start3A_54, %dma_start3A_55] : memref<2600000x32xf32, #tpu.memory_space<hbm>> -> memref<2600000x32xf32, #tpu.memory_space<hbm>>
    tpu.enqueue_indirect_dma source(%dma_start3A_56 : memref<2600000x32xf32, #tpu.memory_space<hbm>>) target(%dma_start3A_50 : memref<128x32xf32, #tpu.memory_space<vmem>>) offsets(%dma_start3A_53 : memref<128xi32, #tpu.memory_space<vmem>>) semaphore(%arg9 : memref<!tpu.dma_semaphore, #tpu.memory_space<semaphore_mem>>)
    %dma_start3A_57 = arith.constant 5 : i32
    %dma_start3A_58 = arith.constant 640 : i32
    %dma_start3A_59 = arith.constant 0 : i32
    %dma_start3A_60 = tpu.memref_slice %arg7[%dma_start3A_58, %dma_start3A_59] : memref<3328x32xf32, #tpu.memory_space<vmem>> -> memref<128x32xf32, #tpu.memory_space<vmem>>
    %dma_start3A_61 = arith.constant 0 : i32
    %dma_start3A_62 = tpu.memref_slice %arg6[%dma_start3A_57, %dma_start3A_61] : memref<26x128xi32, #tpu.memory_space<vmem>> -> memref<1x128xi32, #tpu.memory_space<vmem>>
    %dma_start3A_63 = tpu.memref_squeeze %dma_start3A_62 : memref<1x128xi32, #tpu.memory_space<vmem>> -> memref<128xi32, #tpu.memory_space<vmem>>
    %dma_start3A_64 = arith.constant 0 : i32
    %dma_start3A_65 = arith.constant 0 : i32
    %dma_start3A_66 = tpu.memref_slice %arg3[%dma_start3A_64, %dma_start3A_65] : memref<2600000x32xf32, #tpu.memory_space<hbm>> -> memref<2600000x32xf32, #tpu.memory_space<hbm>>
    tpu.enqueue_indirect_dma source(%dma_start3A_66 : memref<2600000x32xf32, #tpu.memory_space<hbm>>) target(%dma_start3A_60 : memref<128x32xf32, #tpu.memory_space<vmem>>) offsets(%dma_start3A_63 : memref<128xi32, #tpu.memory_space<vmem>>) semaphore(%arg9 : memref<!tpu.dma_semaphore, #tpu.memory_space<semaphore_mem>>)
    %dma_start3A_67 = arith.constant 6 : i32
    %dma_start3A_68 = arith.constant 768 : i32
    %dma_start3A_69 = arith.constant 0 : i32
    %dma_start3A_70 = tpu.memref_slice %arg7[%dma_start3A_68, %dma_start3A_69] : memref<3328x32xf32, #tpu.memory_space<vmem>> -> memref<128x32xf32, #tpu.memory_space<vmem>>
    %dma_start3A_71 = arith.constant 0 : i32
    %dma_start3A_72 = tpu.memref_slice %arg6[%dma_start3A_67, %dma_start3A_71] : memref<26x128xi32, #tpu.memory_space<vmem>> -> memref<1x128xi32, #tpu.memory_space<vmem>>
    %dma_start3A_73 = tpu.memref_squeeze %dma_start3A_72 : memref<1x128xi32, #tpu.memory_space<vmem>> -> memref<128xi32, #tpu.memory_space<vmem>>
    %dma_start3A_74 = arith.constant 0 : i32
    %dma_start3A_75 = arith.constant 0 : i32
    %dma_start3A_76 = tpu.memref_slice %arg3[%dma_start3A_74, %dma_start3A_75] : memref<2600000x32xf32, #tpu.memory_space<hbm>> -> memref<2600000x32xf32, #tpu.memory_space<hbm>>
    tpu.enqueue_indirect_dma source(%dma_start3A_76 : memref<2600000x32xf32, #tpu.memory_space<hbm>>) target(%dma_start3A_70 : memref<128x32xf32, #tpu.memory_space<vmem>>) offsets(%dma_start3A_73 : memref<128xi32, #tpu.memory_space<vmem>>) semaphore(%arg9 : memref<!tpu.dma_semaphore, #tpu.memory_space<semaphore_mem>>)
    %dma_start3A_77 = arith.constant 7 : i32
    %dma_start3A_78 = arith.constant 896 : i32
    %dma_start3A_79 = arith.constant 0 : i32
    %dma_start3A_80 = tpu.memref_slice %arg7[%dma_start3A_78, %dma_start3A_79] : memref<3328x32xf32, #tpu.memory_space<vmem>> -> memref<128x32xf32, #tpu.memory_space<vmem>>
    %dma_start3A_81 = arith.constant 0 : i32
    %dma_start3A_82 = tpu.memref_slice %arg6[%dma_start3A_77, %dma_start3A_81] : memref<26x128xi32, #tpu.memory_space<vmem>> -> memref<1x128xi32, #tpu.memory_space<vmem>>
    %dma_start3A_83 = tpu.memref_squeeze %dma_start3A_82 : memref<1x128xi32, #tpu.memory_space<vmem>> -> memref<128xi32, #tpu.memory_space<vmem>>
    %dma_start3A_84 = arith.constant 0 : i32
    %dma_start3A_85 = arith.constant 0 : i32
    %dma_start3A_86 = tpu.memref_slice %arg3[%dma_start3A_84, %dma_start3A_85] : memref<2600000x32xf32, #tpu.memory_space<hbm>> -> memref<2600000x32xf32, #tpu.memory_space<hbm>>
    tpu.enqueue_indirect_dma source(%dma_start3A_86 : memref<2600000x32xf32, #tpu.memory_space<hbm>>) target(%dma_start3A_80 : memref<128x32xf32, #tpu.memory_space<vmem>>) offsets(%dma_start3A_83 : memref<128xi32, #tpu.memory_space<vmem>>) semaphore(%arg9 : memref<!tpu.dma_semaphore, #tpu.memory_space<semaphore_mem>>)
    %dma_start3A_87 = arith.constant 8 : i32
    %dma_start3A_88 = arith.constant 1024 : i32
    %dma_start3A_89 = arith.constant 0 : i32
    %dma_start3A_90 = tpu.memref_slice %arg7[%dma_start3A_88, %dma_start3A_89] : memref<3328x32xf32, #tpu.memory_space<vmem>> -> memref<128x32xf32, #tpu.memory_space<vmem>>
    %dma_start3A_91 = arith.constant 0 : i32
    %dma_start3A_92 = tpu.memref_slice %arg6[%dma_start3A_87, %dma_start3A_91] : memref<26x128xi32, #tpu.memory_space<vmem>> -> memref<1x128xi32, #tpu.memory_space<vmem>>
    %dma_start3A_93 = tpu.memref_squeeze %dma_start3A_92 : memref<1x128xi32, #tpu.memory_space<vmem>> -> memref<128xi32, #tpu.memory_space<vmem>>
    %dma_start3A_94 = arith.constant 0 : i32
    %dma_start3A_95 = arith.constant 0 : i32
    %dma_start3A_96 = tpu.memref_slice %arg3[%dma_start3A_94, %dma_start3A_95] : memref<2600000x32xf32, #tpu.memory_space<hbm>> -> memref<2600000x32xf32, #tpu.memory_space<hbm>>
    tpu.enqueue_indirect_dma source(%dma_start3A_96 : memref<2600000x32xf32, #tpu.memory_space<hbm>>) target(%dma_start3A_90 : memref<128x32xf32, #tpu.memory_space<vmem>>) offsets(%dma_start3A_93 : memref<128xi32, #tpu.memory_space<vmem>>) semaphore(%arg9 : memref<!tpu.dma_semaphore, #tpu.memory_space<semaphore_mem>>)
    %dma_start3A_97 = arith.constant 9 : i32
    %dma_start3A_98 = arith.constant 1152 : i32
    %dma_start3A_99 = arith.constant 0 : i32
    %dma_start3A_100 = tpu.memref_slice %arg7[%dma_start3A_98, %dma_start3A_99] : memref<3328x32xf32, #tpu.memory_space<vmem>> -> memref<128x32xf32, #tpu.memory_space<vmem>>
    %dma_start3A_101 = arith.constant 0 : i32
    %dma_start3A_102 = tpu.memref_slice %arg6[%dma_start3A_97, %dma_start3A_101] : memref<26x128xi32, #tpu.memory_space<vmem>> -> memref<1x128xi32, #tpu.memory_space<vmem>>
    %dma_start3A_103 = tpu.memref_squeeze %dma_start3A_102 : memref<1x128xi32, #tpu.memory_space<vmem>> -> memref<128xi32, #tpu.memory_space<vmem>>
    %dma_start3A_104 = arith.constant 0 : i32
    %dma_start3A_105 = arith.constant 0 : i32
    %dma_start3A_106 = tpu.memref_slice %arg3[%dma_start3A_104, %dma_start3A_105] : memref<2600000x32xf32, #tpu.memory_space<hbm>> -> memref<2600000x32xf32, #tpu.memory_space<hbm>>
    tpu.enqueue_indirect_dma source(%dma_start3A_106 : memref<2600000x32xf32, #tpu.memory_space<hbm>>) target(%dma_start3A_100 : memref<128x32xf32, #tpu.memory_space<vmem>>) offsets(%dma_start3A_103 : memref<128xi32, #tpu.memory_space<vmem>>) semaphore(%arg9 : memref<!tpu.dma_semaphore, #tpu.memory_space<semaphore_mem>>)
    %dma_start3A_107 = arith.constant 10 : i32
    %dma_start3A_108 = arith.constant 1280 : i32
    %dma_start3A_109 = arith.constant 0 : i32
    %dma_start3A_110 = tpu.memref_slice %arg7[%dma_start3A_108, %dma_start3A_109] : memref<3328x32xf32, #tpu.memory_space<vmem>> -> memref<128x32xf32, #tpu.memory_space<vmem>>
    %dma_start3A_111 = arith.constant 0 : i32
    %dma_start3A_112 = tpu.memref_slice %arg6[%dma_start3A_107, %dma_start3A_111] : memref<26x128xi32, #tpu.memory_space<vmem>> -> memref<1x128xi32, #tpu.memory_space<vmem>>
    %dma_start3A_113 = tpu.memref_squeeze %dma_start3A_112 : memref<1x128xi32, #tpu.memory_space<vmem>> -> memref<128xi32, #tpu.memory_space<vmem>>
    %dma_start3A_114 = arith.constant 0 : i32
    %dma_start3A_115 = arith.constant 0 : i32
    %dma_start3A_116 = tpu.memref_slice %arg3[%dma_start3A_114, %dma_start3A_115] : memref<2600000x32xf32, #tpu.memory_space<hbm>> -> memref<2600000x32xf32, #tpu.memory_space<hbm>>
    tpu.enqueue_indirect_dma source(%dma_start3A_116 : memref<2600000x32xf32, #tpu.memory_space<hbm>>) target(%dma_start3A_110 : memref<128x32xf32, #tpu.memory_space<vmem>>) offsets(%dma_start3A_113 : memref<128xi32, #tpu.memory_space<vmem>>) semaphore(%arg9 : memref<!tpu.dma_semaphore, #tpu.memory_space<semaphore_mem>>)
    %dma_start3A_117 = arith.constant 11 : i32
    %dma_start3A_118 = arith.constant 1408 : i32
    %dma_start3A_119 = arith.constant 0 : i32
    %dma_start3A_120 = tpu.memref_slice %arg7[%dma_start3A_118, %dma_start3A_119] : memref<3328x32xf32, #tpu.memory_space<vmem>> -> memref<128x32xf32, #tpu.memory_space<vmem>>
    %dma_start3A_121 = arith.constant 0 : i32
    %dma_start3A_122 = tpu.memref_slice %arg6[%dma_start3A_117, %dma_start3A_121] : memref<26x128xi32, #tpu.memory_space<vmem>> -> memref<1x128xi32, #tpu.memory_space<vmem>>
    %dma_start3A_123 = tpu.memref_squeeze %dma_start3A_122 : memref<1x128xi32, #tpu.memory_space<vmem>> -> memref<128xi32, #tpu.memory_space<vmem>>
    %dma_start3A_124 = arith.constant 0 : i32
    %dma_start3A_125 = arith.constant 0 : i32
    %dma_start3A_126 = tpu.memref_slice %arg3[%dma_start3A_124, %dma_start3A_125] : memref<2600000x32xf32, #tpu.memory_space<hbm>> -> memref<2600000x32xf32, #tpu.memory_space<hbm>>
    tpu.enqueue_indirect_dma source(%dma_start3A_126 : memref<2600000x32xf32, #tpu.memory_space<hbm>>) target(%dma_start3A_120 : memref<128x32xf32, #tpu.memory_space<vmem>>) offsets(%dma_start3A_123 : memref<128xi32, #tpu.memory_space<vmem>>) semaphore(%arg9 : memref<!tpu.dma_semaphore, #tpu.memory_space<semaphore_mem>>)
    %dma_start3A_127 = arith.constant 12 : i32
    %dma_start3A_128 = arith.constant 1536 : i32
    %dma_start3A_129 = arith.constant 0 : i32
    %dma_start3A_130 = tpu.memref_slice %arg7[%dma_start3A_128, %dma_start3A_129] : memref<3328x32xf32, #tpu.memory_space<vmem>> -> memref<128x32xf32, #tpu.memory_space<vmem>>
    %dma_start3A_131 = arith.constant 0 : i32
    %dma_start3A_132 = tpu.memref_slice %arg6[%dma_start3A_127, %dma_start3A_131] : memref<26x128xi32, #tpu.memory_space<vmem>> -> memref<1x128xi32, #tpu.memory_space<vmem>>
    %dma_start3A_133 = tpu.memref_squeeze %dma_start3A_132 : memref<1x128xi32, #tpu.memory_space<vmem>> -> memref<128xi32, #tpu.memory_space<vmem>>
    %dma_start3A_134 = arith.constant 0 : i32
    %dma_start3A_135 = arith.constant 0 : i32
    %dma_start3A_136 = tpu.memref_slice %arg3[%dma_start3A_134, %dma_start3A_135] : memref<2600000x32xf32, #tpu.memory_space<hbm>> -> memref<2600000x32xf32, #tpu.memory_space<hbm>>
    tpu.enqueue_indirect_dma source(%dma_start3A_136 : memref<2600000x32xf32, #tpu.memory_space<hbm>>) target(%dma_start3A_130 : memref<128x32xf32, #tpu.memory_space<vmem>>) offsets(%dma_start3A_133 : memref<128xi32, #tpu.memory_space<vmem>>) semaphore(%arg9 : memref<!tpu.dma_semaphore, #tpu.memory_space<semaphore_mem>>)
    %dma_start3A_137 = arith.constant 13 : i32
    %dma_start3A_138 = arith.constant 1664 : i32
    %dma_start3A_139 = arith.constant 0 : i32
    %dma_start3A_140 = tpu.memref_slice %arg7[%dma_start3A_138, %dma_start3A_139] : memref<3328x32xf32, #tpu.memory_space<vmem>> -> memref<128x32xf32, #tpu.memory_space<vmem>>
    %dma_start3A_141 = arith.constant 0 : i32
    %dma_start3A_142 = tpu.memref_slice %arg6[%dma_start3A_137, %dma_start3A_141] : memref<26x128xi32, #tpu.memory_space<vmem>> -> memref<1x128xi32, #tpu.memory_space<vmem>>
    %dma_start3A_143 = tpu.memref_squeeze %dma_start3A_142 : memref<1x128xi32, #tpu.memory_space<vmem>> -> memref<128xi32, #tpu.memory_space<vmem>>
    %dma_start3A_144 = arith.constant 0 : i32
    %dma_start3A_145 = arith.constant 0 : i32
    %dma_start3A_146 = tpu.memref_slice %arg3[%dma_start3A_144, %dma_start3A_145] : memref<2600000x32xf32, #tpu.memory_space<hbm>> -> memref<2600000x32xf32, #tpu.memory_space<hbm>>
    tpu.enqueue_indirect_dma source(%dma_start3A_146 : memref<2600000x32xf32, #tpu.memory_space<hbm>>) target(%dma_start3A_140 : memref<128x32xf32, #tpu.memory_space<vmem>>) offsets(%dma_start3A_143 : memref<128xi32, #tpu.memory_space<vmem>>) semaphore(%arg9 : memref<!tpu.dma_semaphore, #tpu.memory_space<semaphore_mem>>)
    %dma_start3A_147 = arith.constant 14 : i32
    %dma_start3A_148 = arith.constant 1792 : i32
    %dma_start3A_149 = arith.constant 0 : i32
    %dma_start3A_150 = tpu.memref_slice %arg7[%dma_start3A_148, %dma_start3A_149] : memref<3328x32xf32, #tpu.memory_space<vmem>> -> memref<128x32xf32, #tpu.memory_space<vmem>>
    %dma_start3A_151 = arith.constant 0 : i32
    %dma_start3A_152 = tpu.memref_slice %arg6[%dma_start3A_147, %dma_start3A_151] : memref<26x128xi32, #tpu.memory_space<vmem>> -> memref<1x128xi32, #tpu.memory_space<vmem>>
    %dma_start3A_153 = tpu.memref_squeeze %dma_start3A_152 : memref<1x128xi32, #tpu.memory_space<vmem>> -> memref<128xi32, #tpu.memory_space<vmem>>
    %dma_start3A_154 = arith.constant 0 : i32
    %dma_start3A_155 = arith.constant 0 : i32
    %dma_start3A_156 = tpu.memref_slice %arg3[%dma_start3A_154, %dma_start3A_155] : memref<2600000x32xf32, #tpu.memory_space<hbm>> -> memref<2600000x32xf32, #tpu.memory_space<hbm>>
    tpu.enqueue_indirect_dma source(%dma_start3A_156 : memref<2600000x32xf32, #tpu.memory_space<hbm>>) target(%dma_start3A_150 : memref<128x32xf32, #tpu.memory_space<vmem>>) offsets(%dma_start3A_153 : memref<128xi32, #tpu.memory_space<vmem>>) semaphore(%arg9 : memref<!tpu.dma_semaphore, #tpu.memory_space<semaphore_mem>>)
    %dma_start3A_157 = arith.constant 15 : i32
    %dma_start3A_158 = arith.constant 1920 : i32
    %dma_start3A_159 = arith.constant 0 : i32
    %dma_start3A_160 = tpu.memref_slice %arg7[%dma_start3A_158, %dma_start3A_159] : memref<3328x32xf32, #tpu.memory_space<vmem>> -> memref<128x32xf32, #tpu.memory_space<vmem>>
    %dma_start3A_161 = arith.constant 0 : i32
    %dma_start3A_162 = tpu.memref_slice %arg6[%dma_start3A_157, %dma_start3A_161] : memref<26x128xi32, #tpu.memory_space<vmem>> -> memref<1x128xi32, #tpu.memory_space<vmem>>
    %dma_start3A_163 = tpu.memref_squeeze %dma_start3A_162 : memref<1x128xi32, #tpu.memory_space<vmem>> -> memref<128xi32, #tpu.memory_space<vmem>>
    %dma_start3A_164 = arith.constant 0 : i32
    %dma_start3A_165 = arith.constant 0 : i32
    %dma_start3A_166 = tpu.memref_slice %arg3[%dma_start3A_164, %dma_start3A_165] : memref<2600000x32xf32, #tpu.memory_space<hbm>> -> memref<2600000x32xf32, #tpu.memory_space<hbm>>
    tpu.enqueue_indirect_dma source(%dma_start3A_166 : memref<2600000x32xf32, #tpu.memory_space<hbm>>) target(%dma_start3A_160 : memref<128x32xf32, #tpu.memory_space<vmem>>) offsets(%dma_start3A_163 : memref<128xi32, #tpu.memory_space<vmem>>) semaphore(%arg9 : memref<!tpu.dma_semaphore, #tpu.memory_space<semaphore_mem>>)
    %dma_start3A_167 = arith.constant 16 : i32
    %dma_start3A_168 = arith.constant 2048 : i32
    %dma_start3A_169 = arith.constant 0 : i32
    %dma_start3A_170 = tpu.memref_slice %arg7[%dma_start3A_168, %dma_start3A_169] : memref<3328x32xf32, #tpu.memory_space<vmem>> -> memref<128x32xf32, #tpu.memory_space<vmem>>
    %dma_start3A_171 = arith.constant 0 : i32
    %dma_start3A_172 = tpu.memref_slice %arg6[%dma_start3A_167, %dma_start3A_171] : memref<26x128xi32, #tpu.memory_space<vmem>> -> memref<1x128xi32, #tpu.memory_space<vmem>>
    %dma_start3A_173 = tpu.memref_squeeze %dma_start3A_172 : memref<1x128xi32, #tpu.memory_space<vmem>> -> memref<128xi32, #tpu.memory_space<vmem>>
    %dma_start3A_174 = arith.constant 0 : i32
    %dma_start3A_175 = arith.constant 0 : i32
    %dma_start3A_176 = tpu.memref_slice %arg3[%dma_start3A_174, %dma_start3A_175] : memref<2600000x32xf32, #tpu.memory_space<hbm>> -> memref<2600000x32xf32, #tpu.memory_space<hbm>>
    tpu.enqueue_indirect_dma source(%dma_start3A_176 : memref<2600000x32xf32, #tpu.memory_space<hbm>>) target(%dma_start3A_170 : memref<128x32xf32, #tpu.memory_space<vmem>>) offsets(%dma_start3A_173 : memref<128xi32, #tpu.memory_space<vmem>>) semaphore(%arg9 : memref<!tpu.dma_semaphore, #tpu.memory_space<semaphore_mem>>)
    %dma_start3A_177 = arith.constant 17 : i32
    %dma_start3A_178 = arith.constant 2176 : i32
    %dma_start3A_179 = arith.constant 0 : i32
    %dma_start3A_180 = tpu.memref_slice %arg7[%dma_start3A_178, %dma_start3A_179] : memref<3328x32xf32, #tpu.memory_space<vmem>> -> memref<128x32xf32, #tpu.memory_space<vmem>>
    %dma_start3A_181 = arith.constant 0 : i32
    %dma_start3A_182 = tpu.memref_slice %arg6[%dma_start3A_177, %dma_start3A_181] : memref<26x128xi32, #tpu.memory_space<vmem>> -> memref<1x128xi32, #tpu.memory_space<vmem>>
    %dma_start3A_183 = tpu.memref_squeeze %dma_start3A_182 : memref<1x128xi32, #tpu.memory_space<vmem>> -> memref<128xi32, #tpu.memory_space<vmem>>
    %dma_start3A_184 = arith.constant 0 : i32
    %dma_start3A_185 = arith.constant 0 : i32
    %dma_start3A_186 = tpu.memref_slice %arg3[%dma_start3A_184, %dma_start3A_185] : memref<2600000x32xf32, #tpu.memory_space<hbm>> -> memref<2600000x32xf32, #tpu.memory_space<hbm>>
    tpu.enqueue_indirect_dma source(%dma_start3A_186 : memref<2600000x32xf32, #tpu.memory_space<hbm>>) target(%dma_start3A_180 : memref<128x32xf32, #tpu.memory_space<vmem>>) offsets(%dma_start3A_183 : memref<128xi32, #tpu.memory_space<vmem>>) semaphore(%arg9 : memref<!tpu.dma_semaphore, #tpu.memory_space<semaphore_mem>>)
    %dma_start3A_187 = arith.constant 18 : i32
    %dma_start3A_188 = arith.constant 2304 : i32
    %dma_start3A_189 = arith.constant 0 : i32
    %dma_start3A_190 = tpu.memref_slice %arg7[%dma_start3A_188, %dma_start3A_189] : memref<3328x32xf32, #tpu.memory_space<vmem>> -> memref<128x32xf32, #tpu.memory_space<vmem>>
    %dma_start3A_191 = arith.constant 0 : i32
    %dma_start3A_192 = tpu.memref_slice %arg6[%dma_start3A_187, %dma_start3A_191] : memref<26x128xi32, #tpu.memory_space<vmem>> -> memref<1x128xi32, #tpu.memory_space<vmem>>
    %dma_start3A_193 = tpu.memref_squeeze %dma_start3A_192 : memref<1x128xi32, #tpu.memory_space<vmem>> -> memref<128xi32, #tpu.memory_space<vmem>>
    %dma_start3A_194 = arith.constant 0 : i32
    %dma_start3A_195 = arith.constant 0 : i32
    %dma_start3A_196 = tpu.memref_slice %arg3[%dma_start3A_194, %dma_start3A_195] : memref<2600000x32xf32, #tpu.memory_space<hbm>> -> memref<2600000x32xf32, #tpu.memory_space<hbm>>
    tpu.enqueue_indirect_dma source(%dma_start3A_196 : memref<2600000x32xf32, #tpu.memory_space<hbm>>) target(%dma_start3A_190 : memref<128x32xf32, #tpu.memory_space<vmem>>) offsets(%dma_start3A_193 : memref<128xi32, #tpu.memory_space<vmem>>) semaphore(%arg9 : memref<!tpu.dma_semaphore, #tpu.memory_space<semaphore_mem>>)
    %dma_start3A_197 = arith.constant 19 : i32
    %dma_start3A_198 = arith.constant 2432 : i32
    %dma_start3A_199 = arith.constant 0 : i32
    %dma_start3A_200 = tpu.memref_slice %arg7[%dma_start3A_198, %dma_start3A_199] : memref<3328x32xf32, #tpu.memory_space<vmem>> -> memref<128x32xf32, #tpu.memory_space<vmem>>
    %dma_start3A_201 = arith.constant 0 : i32
    %dma_start3A_202 = tpu.memref_slice %arg6[%dma_start3A_197, %dma_start3A_201] : memref<26x128xi32, #tpu.memory_space<vmem>> -> memref<1x128xi32, #tpu.memory_space<vmem>>
    %dma_start3A_203 = tpu.memref_squeeze %dma_start3A_202 : memref<1x128xi32, #tpu.memory_space<vmem>> -> memref<128xi32, #tpu.memory_space<vmem>>
    %dma_start3A_204 = arith.constant 0 : i32
    %dma_start3A_205 = arith.constant 0 : i32
    %dma_start3A_206 = tpu.memref_slice %arg3[%dma_start3A_204, %dma_start3A_205] : memref<2600000x32xf32, #tpu.memory_space<hbm>> -> memref<2600000x32xf32, #tpu.memory_space<hbm>>
    tpu.enqueue_indirect_dma source(%dma_start3A_206 : memref<2600000x32xf32, #tpu.memory_space<hbm>>) target(%dma_start3A_200 : memref<128x32xf32, #tpu.memory_space<vmem>>) offsets(%dma_start3A_203 : memref<128xi32, #tpu.memory_space<vmem>>) semaphore(%arg9 : memref<!tpu.dma_semaphore, #tpu.memory_space<semaphore_mem>>)
    %dma_start3A_207 = arith.constant 20 : i32
    %dma_start3A_208 = arith.constant 2560 : i32
    %dma_start3A_209 = arith.constant 0 : i32
    %dma_start3A_210 = tpu.memref_slice %arg7[%dma_start3A_208, %dma_start3A_209] : memref<3328x32xf32, #tpu.memory_space<vmem>> -> memref<128x32xf32, #tpu.memory_space<vmem>>
    %dma_start3A_211 = arith.constant 0 : i32
    %dma_start3A_212 = tpu.memref_slice %arg6[%dma_start3A_207, %dma_start3A_211] : memref<26x128xi32, #tpu.memory_space<vmem>> -> memref<1x128xi32, #tpu.memory_space<vmem>>
    %dma_start3A_213 = tpu.memref_squeeze %dma_start3A_212 : memref<1x128xi32, #tpu.memory_space<vmem>> -> memref<128xi32, #tpu.memory_space<vmem>>
    %dma_start3A_214 = arith.constant 0 : i32
    %dma_start3A_215 = arith.constant 0 : i32
    %dma_start3A_216 = tpu.memref_slice %arg3[%dma_start3A_214, %dma_start3A_215] : memref<2600000x32xf32, #tpu.memory_space<hbm>> -> memref<2600000x32xf32, #tpu.memory_space<hbm>>
    tpu.enqueue_indirect_dma source(%dma_start3A_216 : memref<2600000x32xf32, #tpu.memory_space<hbm>>) target(%dma_start3A_210 : memref<128x32xf32, #tpu.memory_space<vmem>>) offsets(%dma_start3A_213 : memref<128xi32, #tpu.memory_space<vmem>>) semaphore(%arg9 : memref<!tpu.dma_semaphore, #tpu.memory_space<semaphore_mem>>)
    %dma_start3A_217 = arith.constant 21 : i32
    %dma_start3A_218 = arith.constant 2688 : i32
    %dma_start3A_219 = arith.constant 0 : i32
    %dma_start3A_220 = tpu.memref_slice %arg7[%dma_start3A_218, %dma_start3A_219] : memref<3328x32xf32, #tpu.memory_space<vmem>> -> memref<128x32xf32, #tpu.memory_space<vmem>>
    %dma_start3A_221 = arith.constant 0 : i32
    %dma_start3A_222 = tpu.memref_slice %arg6[%dma_start3A_217, %dma_start3A_221] : memref<26x128xi32, #tpu.memory_space<vmem>> -> memref<1x128xi32, #tpu.memory_space<vmem>>
    %dma_start3A_223 = tpu.memref_squeeze %dma_start3A_222 : memref<1x128xi32, #tpu.memory_space<vmem>> -> memref<128xi32, #tpu.memory_space<vmem>>
    %dma_start3A_224 = arith.constant 0 : i32
    %dma_start3A_225 = arith.constant 0 : i32
    %dma_start3A_226 = tpu.memref_slice %arg3[%dma_start3A_224, %dma_start3A_225] : memref<2600000x32xf32, #tpu.memory_space<hbm>> -> memref<2600000x32xf32, #tpu.memory_space<hbm>>
    tpu.enqueue_indirect_dma source(%dma_start3A_226 : memref<2600000x32xf32, #tpu.memory_space<hbm>>) target(%dma_start3A_220 : memref<128x32xf32, #tpu.memory_space<vmem>>) offsets(%dma_start3A_223 : memref<128xi32, #tpu.memory_space<vmem>>) semaphore(%arg9 : memref<!tpu.dma_semaphore, #tpu.memory_space<semaphore_mem>>)
    %dma_start3A_227 = arith.constant 22 : i32
    %dma_start3A_228 = arith.constant 2816 : i32
    %dma_start3A_229 = arith.constant 0 : i32
    %dma_start3A_230 = tpu.memref_slice %arg7[%dma_start3A_228, %dma_start3A_229] : memref<3328x32xf32, #tpu.memory_space<vmem>> -> memref<128x32xf32, #tpu.memory_space<vmem>>
    %dma_start3A_231 = arith.constant 0 : i32
    %dma_start3A_232 = tpu.memref_slice %arg6[%dma_start3A_227, %dma_start3A_231] : memref<26x128xi32, #tpu.memory_space<vmem>> -> memref<1x128xi32, #tpu.memory_space<vmem>>
    %dma_start3A_233 = tpu.memref_squeeze %dma_start3A_232 : memref<1x128xi32, #tpu.memory_space<vmem>> -> memref<128xi32, #tpu.memory_space<vmem>>
    %dma_start3A_234 = arith.constant 0 : i32
    %dma_start3A_235 = arith.constant 0 : i32
    %dma_start3A_236 = tpu.memref_slice %arg3[%dma_start3A_234, %dma_start3A_235] : memref<2600000x32xf32, #tpu.memory_space<hbm>> -> memref<2600000x32xf32, #tpu.memory_space<hbm>>
    tpu.enqueue_indirect_dma source(%dma_start3A_236 : memref<2600000x32xf32, #tpu.memory_space<hbm>>) target(%dma_start3A_230 : memref<128x32xf32, #tpu.memory_space<vmem>>) offsets(%dma_start3A_233 : memref<128xi32, #tpu.memory_space<vmem>>) semaphore(%arg9 : memref<!tpu.dma_semaphore, #tpu.memory_space<semaphore_mem>>)
    %dma_start3A_237 = arith.constant 23 : i32
    %dma_start3A_238 = arith.constant 2944 : i32
    %dma_start3A_239 = arith.constant 0 : i32
    %dma_start3A_240 = tpu.memref_slice %arg7[%dma_start3A_238, %dma_start3A_239] : memref<3328x32xf32, #tpu.memory_space<vmem>> -> memref<128x32xf32, #tpu.memory_space<vmem>>
    %dma_start3A_241 = arith.constant 0 : i32
    %dma_start3A_242 = tpu.memref_slice %arg6[%dma_start3A_237, %dma_start3A_241] : memref<26x128xi32, #tpu.memory_space<vmem>> -> memref<1x128xi32, #tpu.memory_space<vmem>>
    %dma_start3A_243 = tpu.memref_squeeze %dma_start3A_242 : memref<1x128xi32, #tpu.memory_space<vmem>> -> memref<128xi32, #tpu.memory_space<vmem>>
    %dma_start3A_244 = arith.constant 0 : i32
    %dma_start3A_245 = arith.constant 0 : i32
    %dma_start3A_246 = tpu.memref_slice %arg3[%dma_start3A_244, %dma_start3A_245] : memref<2600000x32xf32, #tpu.memory_space<hbm>> -> memref<2600000x32xf32, #tpu.memory_space<hbm>>
    tpu.enqueue_indirect_dma source(%dma_start3A_246 : memref<2600000x32xf32, #tpu.memory_space<hbm>>) target(%dma_start3A_240 : memref<128x32xf32, #tpu.memory_space<vmem>>) offsets(%dma_start3A_243 : memref<128xi32, #tpu.memory_space<vmem>>) semaphore(%arg9 : memref<!tpu.dma_semaphore, #tpu.memory_space<semaphore_mem>>)
    %dma_start3A_247 = arith.constant 24 : i32
    %dma_start3A_248 = arith.constant 3072 : i32
    %dma_start3A_249 = arith.constant 0 : i32
    %dma_start3A_250 = tpu.memref_slice %arg7[%dma_start3A_248, %dma_start3A_249] : memref<3328x32xf32, #tpu.memory_space<vmem>> -> memref<128x32xf32, #tpu.memory_space<vmem>>
    %dma_start3A_251 = arith.constant 0 : i32
    %dma_start3A_252 = tpu.memref_slice %arg6[%dma_start3A_247, %dma_start3A_251] : memref<26x128xi32, #tpu.memory_space<vmem>> -> memref<1x128xi32, #tpu.memory_space<vmem>>
    %dma_start3A_253 = tpu.memref_squeeze %dma_start3A_252 : memref<1x128xi32, #tpu.memory_space<vmem>> -> memref<128xi32, #tpu.memory_space<vmem>>
    %dma_start3A_254 = arith.constant 0 : i32
    %dma_start3A_255 = arith.constant 0 : i32
    %dma_start3A_256 = tpu.memref_slice %arg3[%dma_start3A_254, %dma_start3A_255] : memref<2600000x32xf32, #tpu.memory_space<hbm>> -> memref<2600000x32xf32, #tpu.memory_space<hbm>>
    tpu.enqueue_indirect_dma source(%dma_start3A_256 : memref<2600000x32xf32, #tpu.memory_space<hbm>>) target(%dma_start3A_250 : memref<128x32xf32, #tpu.memory_space<vmem>>) offsets(%dma_start3A_253 : memref<128xi32, #tpu.memory_space<vmem>>) semaphore(%arg9 : memref<!tpu.dma_semaphore, #tpu.memory_space<semaphore_mem>>)
    %dma_start3A_257 = arith.constant 25 : i32
    %dma_start3A_258 = arith.constant 3200 : i32
    %dma_start3A_259 = arith.constant 0 : i32
    %dma_start3A_260 = tpu.memref_slice %arg7[%dma_start3A_258, %dma_start3A_259] : memref<3328x32xf32, #tpu.memory_space<vmem>> -> memref<128x32xf32, #tpu.memory_space<vmem>>
    %dma_start3A_261 = arith.constant 0 : i32
    %dma_start3A_262 = tpu.memref_slice %arg6[%dma_start3A_257, %dma_start3A_261] : memref<26x128xi32, #tpu.memory_space<vmem>> -> memref<1x128xi32, #tpu.memory_space<vmem>>
    %dma_start3A_263 = tpu.memref_squeeze %dma_start3A_262 : memref<1x128xi32, #tpu.memory_space<vmem>> -> memref<128xi32, #tpu.memory_space<vmem>>
    %dma_start3A_264 = arith.constant 0 : i32
    %dma_start3A_265 = arith.constant 0 : i32
    %dma_start3A_266 = tpu.memref_slice %arg3[%dma_start3A_264, %dma_start3A_265] : memref<2600000x32xf32, #tpu.memory_space<hbm>> -> memref<2600000x32xf32, #tpu.memory_space<hbm>>
    tpu.enqueue_indirect_dma source(%dma_start3A_266 : memref<2600000x32xf32, #tpu.memory_space<hbm>>) target(%dma_start3A_260 : memref<128x32xf32, #tpu.memory_space<vmem>>) offsets(%dma_start3A_263 : memref<128xi32, #tpu.memory_space<vmem>>) semaphore(%arg9 : memref<!tpu.dma_semaphore, #tpu.memory_space<semaphore_mem>>)
    %dma_wait3A = arith.constant 0 : i32
    %dma_wait3A_267 = arith.constant 0 : i32
    %dma_wait3A_268 = arith.constant 0 : i32
    %dma_wait3A_269 = tpu.memref_slice %arg7[%dma_wait3A_267, %dma_wait3A_268] : memref<3328x32xf32, #tpu.memory_space<vmem>> -> memref<128x32xf32, #tpu.memory_space<vmem>>
    %dma_wait3A_270 = arith.constant 0 : i32
    %dma_wait3A_271 = tpu.memref_slice %arg6[%dma_wait3A, %dma_wait3A_270] : memref<26x128xi32, #tpu.memory_space<vmem>> -> memref<1x128xi32, #tpu.memory_space<vmem>>
    %dma_wait3A_272 = tpu.memref_squeeze %dma_wait3A_271 : memref<1x128xi32, #tpu.memory_space<vmem>> -> memref<128xi32, #tpu.memory_space<vmem>>
    %dma_wait3A_273 = arith.constant 0 : i32
    %dma_wait3A_274 = arith.constant 0 : i32
    %dma_wait3A_275 = tpu.memref_slice %arg3[%dma_wait3A_273, %dma_wait3A_274] : memref<2600000x32xf32, #tpu.memory_space<hbm>> -> memref<2600000x32xf32, #tpu.memory_space<hbm>>
    tpu.wait_indirect_dma semaphore(%arg9 : memref<!tpu.dma_semaphore, #tpu.memory_space<semaphore_mem>>) src(%dma_wait3A_275 : memref<2600000x32xf32, #tpu.memory_space<hbm>>) dst(%dma_wait3A_269 : memref<128x32xf32, #tpu.memory_space<vmem>>)
    %dma_wait3A_276 = arith.constant 1 : i32
    %dma_wait3A_277 = arith.constant 128 : i32
    %dma_wait3A_278 = arith.constant 0 : i32
    %dma_wait3A_279 = tpu.memref_slice %arg7[%dma_wait3A_277, %dma_wait3A_278] : memref<3328x32xf32, #tpu.memory_space<vmem>> -> memref<128x32xf32, #tpu.memory_space<vmem>>
    %dma_wait3A_280 = arith.constant 0 : i32
    %dma_wait3A_281 = tpu.memref_slice %arg6[%dma_wait3A_276, %dma_wait3A_280] : memref<26x128xi32, #tpu.memory_space<vmem>> -> memref<1x128xi32, #tpu.memory_space<vmem>>
    %dma_wait3A_282 = tpu.memref_squeeze %dma_wait3A_281 : memref<1x128xi32, #tpu.memory_space<vmem>> -> memref<128xi32, #tpu.memory_space<vmem>>
    %dma_wait3A_283 = arith.constant 0 : i32
    %dma_wait3A_284 = arith.constant 0 : i32
    %dma_wait3A_285 = tpu.memref_slice %arg3[%dma_wait3A_283, %dma_wait3A_284] : memref<2600000x32xf32, #tpu.memory_space<hbm>> -> memref<2600000x32xf32, #tpu.memory_space<hbm>>
    tpu.wait_indirect_dma semaphore(%arg9 : memref<!tpu.dma_semaphore, #tpu.memory_space<semaphore_mem>>) src(%dma_wait3A_285 : memref<2600000x32xf32, #tpu.memory_space<hbm>>) dst(%dma_wait3A_279 : memref<128x32xf32, #tpu.memory_space<vmem>>)
    %dma_wait3A_286 = arith.constant 2 : i32
    %dma_wait3A_287 = arith.constant 256 : i32
    %dma_wait3A_288 = arith.constant 0 : i32
    %dma_wait3A_289 = tpu.memref_slice %arg7[%dma_wait3A_287, %dma_wait3A_288] : memref<3328x32xf32, #tpu.memory_space<vmem>> -> memref<128x32xf32, #tpu.memory_space<vmem>>
    %dma_wait3A_290 = arith.constant 0 : i32
    %dma_wait3A_291 = tpu.memref_slice %arg6[%dma_wait3A_286, %dma_wait3A_290] : memref<26x128xi32, #tpu.memory_space<vmem>> -> memref<1x128xi32, #tpu.memory_space<vmem>>
    %dma_wait3A_292 = tpu.memref_squeeze %dma_wait3A_291 : memref<1x128xi32, #tpu.memory_space<vmem>> -> memref<128xi32, #tpu.memory_space<vmem>>
    %dma_wait3A_293 = arith.constant 0 : i32
    %dma_wait3A_294 = arith.constant 0 : i32
    %dma_wait3A_295 = tpu.memref_slice %arg3[%dma_wait3A_293, %dma_wait3A_294] : memref<2600000x32xf32, #tpu.memory_space<hbm>> -> memref<2600000x32xf32, #tpu.memory_space<hbm>>
    tpu.wait_indirect_dma semaphore(%arg9 : memref<!tpu.dma_semaphore, #tpu.memory_space<semaphore_mem>>) src(%dma_wait3A_295 : memref<2600000x32xf32, #tpu.memory_space<hbm>>) dst(%dma_wait3A_289 : memref<128x32xf32, #tpu.memory_space<vmem>>)
    %dma_wait3A_296 = arith.constant 3 : i32
    %dma_wait3A_297 = arith.constant 384 : i32
    %dma_wait3A_298 = arith.constant 0 : i32
    %dma_wait3A_299 = tpu.memref_slice %arg7[%dma_wait3A_297, %dma_wait3A_298] : memref<3328x32xf32, #tpu.memory_space<vmem>> -> memref<128x32xf32, #tpu.memory_space<vmem>>
    %dma_wait3A_300 = arith.constant 0 : i32
    %dma_wait3A_301 = tpu.memref_slice %arg6[%dma_wait3A_296, %dma_wait3A_300] : memref<26x128xi32, #tpu.memory_space<vmem>> -> memref<1x128xi32, #tpu.memory_space<vmem>>
    %dma_wait3A_302 = tpu.memref_squeeze %dma_wait3A_301 : memref<1x128xi32, #tpu.memory_space<vmem>> -> memref<128xi32, #tpu.memory_space<vmem>>
    %dma_wait3A_303 = arith.constant 0 : i32
    %dma_wait3A_304 = arith.constant 0 : i32
    %dma_wait3A_305 = tpu.memref_slice %arg3[%dma_wait3A_303, %dma_wait3A_304] : memref<2600000x32xf32, #tpu.memory_space<hbm>> -> memref<2600000x32xf32, #tpu.memory_space<hbm>>
    tpu.wait_indirect_dma semaphore(%arg9 : memref<!tpu.dma_semaphore, #tpu.memory_space<semaphore_mem>>) src(%dma_wait3A_305 : memref<2600000x32xf32, #tpu.memory_space<hbm>>) dst(%dma_wait3A_299 : memref<128x32xf32, #tpu.memory_space<vmem>>)
    %dma_wait3A_306 = arith.constant 4 : i32
    %dma_wait3A_307 = arith.constant 512 : i32
    %dma_wait3A_308 = arith.constant 0 : i32
    %dma_wait3A_309 = tpu.memref_slice %arg7[%dma_wait3A_307, %dma_wait3A_308] : memref<3328x32xf32, #tpu.memory_space<vmem>> -> memref<128x32xf32, #tpu.memory_space<vmem>>
    %dma_wait3A_310 = arith.constant 0 : i32
    %dma_wait3A_311 = tpu.memref_slice %arg6[%dma_wait3A_306, %dma_wait3A_310] : memref<26x128xi32, #tpu.memory_space<vmem>> -> memref<1x128xi32, #tpu.memory_space<vmem>>
    %dma_wait3A_312 = tpu.memref_squeeze %dma_wait3A_311 : memref<1x128xi32, #tpu.memory_space<vmem>> -> memref<128xi32, #tpu.memory_space<vmem>>
    %dma_wait3A_313 = arith.constant 0 : i32
    %dma_wait3A_314 = arith.constant 0 : i32
    %dma_wait3A_315 = tpu.memref_slice %arg3[%dma_wait3A_313, %dma_wait3A_314] : memref<2600000x32xf32, #tpu.memory_space<hbm>> -> memref<2600000x32xf32, #tpu.memory_space<hbm>>
    tpu.wait_indirect_dma semaphore(%arg9 : memref<!tpu.dma_semaphore, #tpu.memory_space<semaphore_mem>>) src(%dma_wait3A_315 : memref<2600000x32xf32, #tpu.memory_space<hbm>>) dst(%dma_wait3A_309 : memref<128x32xf32, #tpu.memory_space<vmem>>)
    %dma_wait3A_316 = arith.constant 5 : i32
    %dma_wait3A_317 = arith.constant 640 : i32
    %dma_wait3A_318 = arith.constant 0 : i32
    %dma_wait3A_319 = tpu.memref_slice %arg7[%dma_wait3A_317, %dma_wait3A_318] : memref<3328x32xf32, #tpu.memory_space<vmem>> -> memref<128x32xf32, #tpu.memory_space<vmem>>
    %dma_wait3A_320 = arith.constant 0 : i32
    %dma_wait3A_321 = tpu.memref_slice %arg6[%dma_wait3A_316, %dma_wait3A_320] : memref<26x128xi32, #tpu.memory_space<vmem>> -> memref<1x128xi32, #tpu.memory_space<vmem>>
    %dma_wait3A_322 = tpu.memref_squeeze %dma_wait3A_321 : memref<1x128xi32, #tpu.memory_space<vmem>> -> memref<128xi32, #tpu.memory_space<vmem>>
    %dma_wait3A_323 = arith.constant 0 : i32
    %dma_wait3A_324 = arith.constant 0 : i32
    %dma_wait3A_325 = tpu.memref_slice %arg3[%dma_wait3A_323, %dma_wait3A_324] : memref<2600000x32xf32, #tpu.memory_space<hbm>> -> memref<2600000x32xf32, #tpu.memory_space<hbm>>
    tpu.wait_indirect_dma semaphore(%arg9 : memref<!tpu.dma_semaphore, #tpu.memory_space<semaphore_mem>>) src(%dma_wait3A_325 : memref<2600000x32xf32, #tpu.memory_space<hbm>>) dst(%dma_wait3A_319 : memref<128x32xf32, #tpu.memory_space<vmem>>)
    %dma_wait3A_326 = arith.constant 6 : i32
    %dma_wait3A_327 = arith.constant 768 : i32
    %dma_wait3A_328 = arith.constant 0 : i32
    %dma_wait3A_329 = tpu.memref_slice %arg7[%dma_wait3A_327, %dma_wait3A_328] : memref<3328x32xf32, #tpu.memory_space<vmem>> -> memref<128x32xf32, #tpu.memory_space<vmem>>
    %dma_wait3A_330 = arith.constant 0 : i32
    %dma_wait3A_331 = tpu.memref_slice %arg6[%dma_wait3A_326, %dma_wait3A_330] : memref<26x128xi32, #tpu.memory_space<vmem>> -> memref<1x128xi32, #tpu.memory_space<vmem>>
    %dma_wait3A_332 = tpu.memref_squeeze %dma_wait3A_331 : memref<1x128xi32, #tpu.memory_space<vmem>> -> memref<128xi32, #tpu.memory_space<vmem>>
    %dma_wait3A_333 = arith.constant 0 : i32
    %dma_wait3A_334 = arith.constant 0 : i32
    %dma_wait3A_335 = tpu.memref_slice %arg3[%dma_wait3A_333, %dma_wait3A_334] : memref<2600000x32xf32, #tpu.memory_space<hbm>> -> memref<2600000x32xf32, #tpu.memory_space<hbm>>
    tpu.wait_indirect_dma semaphore(%arg9 : memref<!tpu.dma_semaphore, #tpu.memory_space<semaphore_mem>>) src(%dma_wait3A_335 : memref<2600000x32xf32, #tpu.memory_space<hbm>>) dst(%dma_wait3A_329 : memref<128x32xf32, #tpu.memory_space<vmem>>)
    %dma_wait3A_336 = arith.constant 7 : i32
    %dma_wait3A_337 = arith.constant 896 : i32
    %dma_wait3A_338 = arith.constant 0 : i32
    %dma_wait3A_339 = tpu.memref_slice %arg7[%dma_wait3A_337, %dma_wait3A_338] : memref<3328x32xf32, #tpu.memory_space<vmem>> -> memref<128x32xf32, #tpu.memory_space<vmem>>
    %dma_wait3A_340 = arith.constant 0 : i32
    %dma_wait3A_341 = tpu.memref_slice %arg6[%dma_wait3A_336, %dma_wait3A_340] : memref<26x128xi32, #tpu.memory_space<vmem>> -> memref<1x128xi32, #tpu.memory_space<vmem>>
    %dma_wait3A_342 = tpu.memref_squeeze %dma_wait3A_341 : memref<1x128xi32, #tpu.memory_space<vmem>> -> memref<128xi32, #tpu.memory_space<vmem>>
    %dma_wait3A_343 = arith.constant 0 : i32
    %dma_wait3A_344 = arith.constant 0 : i32
    %dma_wait3A_345 = tpu.memref_slice %arg3[%dma_wait3A_343, %dma_wait3A_344] : memref<2600000x32xf32, #tpu.memory_space<hbm>> -> memref<2600000x32xf32, #tpu.memory_space<hbm>>
    tpu.wait_indirect_dma semaphore(%arg9 : memref<!tpu.dma_semaphore, #tpu.memory_space<semaphore_mem>>) src(%dma_wait3A_345 : memref<2600000x32xf32, #tpu.memory_space<hbm>>) dst(%dma_wait3A_339 : memref<128x32xf32, #tpu.memory_space<vmem>>)
    %dma_wait3A_346 = arith.constant 8 : i32
    %dma_wait3A_347 = arith.constant 1024 : i32
    %dma_wait3A_348 = arith.constant 0 : i32
    %dma_wait3A_349 = tpu.memref_slice %arg7[%dma_wait3A_347, %dma_wait3A_348] : memref<3328x32xf32, #tpu.memory_space<vmem>> -> memref<128x32xf32, #tpu.memory_space<vmem>>
    %dma_wait3A_350 = arith.constant 0 : i32
    %dma_wait3A_351 = tpu.memref_slice %arg6[%dma_wait3A_346, %dma_wait3A_350] : memref<26x128xi32, #tpu.memory_space<vmem>> -> memref<1x128xi32, #tpu.memory_space<vmem>>
    %dma_wait3A_352 = tpu.memref_squeeze %dma_wait3A_351 : memref<1x128xi32, #tpu.memory_space<vmem>> -> memref<128xi32, #tpu.memory_space<vmem>>
    %dma_wait3A_353 = arith.constant 0 : i32
    %dma_wait3A_354 = arith.constant 0 : i32
    %dma_wait3A_355 = tpu.memref_slice %arg3[%dma_wait3A_353, %dma_wait3A_354] : memref<2600000x32xf32, #tpu.memory_space<hbm>> -> memref<2600000x32xf32, #tpu.memory_space<hbm>>
    tpu.wait_indirect_dma semaphore(%arg9 : memref<!tpu.dma_semaphore, #tpu.memory_space<semaphore_mem>>) src(%dma_wait3A_355 : memref<2600000x32xf32, #tpu.memory_space<hbm>>) dst(%dma_wait3A_349 : memref<128x32xf32, #tpu.memory_space<vmem>>)
    %dma_wait3A_356 = arith.constant 9 : i32
    %dma_wait3A_357 = arith.constant 1152 : i32
    %dma_wait3A_358 = arith.constant 0 : i32
    %dma_wait3A_359 = tpu.memref_slice %arg7[%dma_wait3A_357, %dma_wait3A_358] : memref<3328x32xf32, #tpu.memory_space<vmem>> -> memref<128x32xf32, #tpu.memory_space<vmem>>
    %dma_wait3A_360 = arith.constant 0 : i32
    %dma_wait3A_361 = tpu.memref_slice %arg6[%dma_wait3A_356, %dma_wait3A_360] : memref<26x128xi32, #tpu.memory_space<vmem>> -> memref<1x128xi32, #tpu.memory_space<vmem>>
    %dma_wait3A_362 = tpu.memref_squeeze %dma_wait3A_361 : memref<1x128xi32, #tpu.memory_space<vmem>> -> memref<128xi32, #tpu.memory_space<vmem>>
    %dma_wait3A_363 = arith.constant 0 : i32
    %dma_wait3A_364 = arith.constant 0 : i32
    %dma_wait3A_365 = tpu.memref_slice %arg3[%dma_wait3A_363, %dma_wait3A_364] : memref<2600000x32xf32, #tpu.memory_space<hbm>> -> memref<2600000x32xf32, #tpu.memory_space<hbm>>
    tpu.wait_indirect_dma semaphore(%arg9 : memref<!tpu.dma_semaphore, #tpu.memory_space<semaphore_mem>>) src(%dma_wait3A_365 : memref<2600000x32xf32, #tpu.memory_space<hbm>>) dst(%dma_wait3A_359 : memref<128x32xf32, #tpu.memory_space<vmem>>)
    %dma_wait3A_366 = arith.constant 10 : i32
    %dma_wait3A_367 = arith.constant 1280 : i32
    %dma_wait3A_368 = arith.constant 0 : i32
    %dma_wait3A_369 = tpu.memref_slice %arg7[%dma_wait3A_367, %dma_wait3A_368] : memref<3328x32xf32, #tpu.memory_space<vmem>> -> memref<128x32xf32, #tpu.memory_space<vmem>>
    %dma_wait3A_370 = arith.constant 0 : i32
    %dma_wait3A_371 = tpu.memref_slice %arg6[%dma_wait3A_366, %dma_wait3A_370] : memref<26x128xi32, #tpu.memory_space<vmem>> -> memref<1x128xi32, #tpu.memory_space<vmem>>
    %dma_wait3A_372 = tpu.memref_squeeze %dma_wait3A_371 : memref<1x128xi32, #tpu.memory_space<vmem>> -> memref<128xi32, #tpu.memory_space<vmem>>
    %dma_wait3A_373 = arith.constant 0 : i32
    %dma_wait3A_374 = arith.constant 0 : i32
    %dma_wait3A_375 = tpu.memref_slice %arg3[%dma_wait3A_373, %dma_wait3A_374] : memref<2600000x32xf32, #tpu.memory_space<hbm>> -> memref<2600000x32xf32, #tpu.memory_space<hbm>>
    tpu.wait_indirect_dma semaphore(%arg9 : memref<!tpu.dma_semaphore, #tpu.memory_space<semaphore_mem>>) src(%dma_wait3A_375 : memref<2600000x32xf32, #tpu.memory_space<hbm>>) dst(%dma_wait3A_369 : memref<128x32xf32, #tpu.memory_space<vmem>>)
    %dma_wait3A_376 = arith.constant 11 : i32
    %dma_wait3A_377 = arith.constant 1408 : i32
    %dma_wait3A_378 = arith.constant 0 : i32
    %dma_wait3A_379 = tpu.memref_slice %arg7[%dma_wait3A_377, %dma_wait3A_378] : memref<3328x32xf32, #tpu.memory_space<vmem>> -> memref<128x32xf32, #tpu.memory_space<vmem>>
    %dma_wait3A_380 = arith.constant 0 : i32
    %dma_wait3A_381 = tpu.memref_slice %arg6[%dma_wait3A_376, %dma_wait3A_380] : memref<26x128xi32, #tpu.memory_space<vmem>> -> memref<1x128xi32, #tpu.memory_space<vmem>>
    %dma_wait3A_382 = tpu.memref_squeeze %dma_wait3A_381 : memref<1x128xi32, #tpu.memory_space<vmem>> -> memref<128xi32, #tpu.memory_space<vmem>>
    %dma_wait3A_383 = arith.constant 0 : i32
    %dma_wait3A_384 = arith.constant 0 : i32
    %dma_wait3A_385 = tpu.memref_slice %arg3[%dma_wait3A_383, %dma_wait3A_384] : memref<2600000x32xf32, #tpu.memory_space<hbm>> -> memref<2600000x32xf32, #tpu.memory_space<hbm>>
    tpu.wait_indirect_dma semaphore(%arg9 : memref<!tpu.dma_semaphore, #tpu.memory_space<semaphore_mem>>) src(%dma_wait3A_385 : memref<2600000x32xf32, #tpu.memory_space<hbm>>) dst(%dma_wait3A_379 : memref<128x32xf32, #tpu.memory_space<vmem>>)
    %dma_wait3A_386 = arith.constant 12 : i32
    %dma_wait3A_387 = arith.constant 1536 : i32
    %dma_wait3A_388 = arith.constant 0 : i32
    %dma_wait3A_389 = tpu.memref_slice %arg7[%dma_wait3A_387, %dma_wait3A_388] : memref<3328x32xf32, #tpu.memory_space<vmem>> -> memref<128x32xf32, #tpu.memory_space<vmem>>
    %dma_wait3A_390 = arith.constant 0 : i32
    %dma_wait3A_391 = tpu.memref_slice %arg6[%dma_wait3A_386, %dma_wait3A_390] : memref<26x128xi32, #tpu.memory_space<vmem>> -> memref<1x128xi32, #tpu.memory_space<vmem>>
    %dma_wait3A_392 = tpu.memref_squeeze %dma_wait3A_391 : memref<1x128xi32, #tpu.memory_space<vmem>> -> memref<128xi32, #tpu.memory_space<vmem>>
    %dma_wait3A_393 = arith.constant 0 : i32
    %dma_wait3A_394 = arith.constant 0 : i32
    %dma_wait3A_395 = tpu.memref_slice %arg3[%dma_wait3A_393, %dma_wait3A_394] : memref<2600000x32xf32, #tpu.memory_space<hbm>> -> memref<2600000x32xf32, #tpu.memory_space<hbm>>
    tpu.wait_indirect_dma semaphore(%arg9 : memref<!tpu.dma_semaphore, #tpu.memory_space<semaphore_mem>>) src(%dma_wait3A_395 : memref<2600000x32xf32, #tpu.memory_space<hbm>>) dst(%dma_wait3A_389 : memref<128x32xf32, #tpu.memory_space<vmem>>)
    %dma_wait3A_396 = arith.constant 13 : i32
    %dma_wait3A_397 = arith.constant 1664 : i32
    %dma_wait3A_398 = arith.constant 0 : i32
    %dma_wait3A_399 = tpu.memref_slice %arg7[%dma_wait3A_397, %dma_wait3A_398] : memref<3328x32xf32, #tpu.memory_space<vmem>> -> memref<128x32xf32, #tpu.memory_space<vmem>>
    %dma_wait3A_400 = arith.constant 0 : i32
    %dma_wait3A_401 = tpu.memref_slice %arg6[%dma_wait3A_396, %dma_wait3A_400] : memref<26x128xi32, #tpu.memory_space<vmem>> -> memref<1x128xi32, #tpu.memory_space<vmem>>
    %dma_wait3A_402 = tpu.memref_squeeze %dma_wait3A_401 : memref<1x128xi32, #tpu.memory_space<vmem>> -> memref<128xi32, #tpu.memory_space<vmem>>
    %dma_wait3A_403 = arith.constant 0 : i32
    %dma_wait3A_404 = arith.constant 0 : i32
    %dma_wait3A_405 = tpu.memref_slice %arg3[%dma_wait3A_403, %dma_wait3A_404] : memref<2600000x32xf32, #tpu.memory_space<hbm>> -> memref<2600000x32xf32, #tpu.memory_space<hbm>>
    tpu.wait_indirect_dma semaphore(%arg9 : memref<!tpu.dma_semaphore, #tpu.memory_space<semaphore_mem>>) src(%dma_wait3A_405 : memref<2600000x32xf32, #tpu.memory_space<hbm>>) dst(%dma_wait3A_399 : memref<128x32xf32, #tpu.memory_space<vmem>>)
    %dma_wait3A_406 = arith.constant 14 : i32
    %dma_wait3A_407 = arith.constant 1792 : i32
    %dma_wait3A_408 = arith.constant 0 : i32
    %dma_wait3A_409 = tpu.memref_slice %arg7[%dma_wait3A_407, %dma_wait3A_408] : memref<3328x32xf32, #tpu.memory_space<vmem>> -> memref<128x32xf32, #tpu.memory_space<vmem>>
    %dma_wait3A_410 = arith.constant 0 : i32
    %dma_wait3A_411 = tpu.memref_slice %arg6[%dma_wait3A_406, %dma_wait3A_410] : memref<26x128xi32, #tpu.memory_space<vmem>> -> memref<1x128xi32, #tpu.memory_space<vmem>>
    %dma_wait3A_412 = tpu.memref_squeeze %dma_wait3A_411 : memref<1x128xi32, #tpu.memory_space<vmem>> -> memref<128xi32, #tpu.memory_space<vmem>>
    %dma_wait3A_413 = arith.constant 0 : i32
    %dma_wait3A_414 = arith.constant 0 : i32
    %dma_wait3A_415 = tpu.memref_slice %arg3[%dma_wait3A_413, %dma_wait3A_414] : memref<2600000x32xf32, #tpu.memory_space<hbm>> -> memref<2600000x32xf32, #tpu.memory_space<hbm>>
    tpu.wait_indirect_dma semaphore(%arg9 : memref<!tpu.dma_semaphore, #tpu.memory_space<semaphore_mem>>) src(%dma_wait3A_415 : memref<2600000x32xf32, #tpu.memory_space<hbm>>) dst(%dma_wait3A_409 : memref<128x32xf32, #tpu.memory_space<vmem>>)
    %dma_wait3A_416 = arith.constant 15 : i32
    %dma_wait3A_417 = arith.constant 1920 : i32
    %dma_wait3A_418 = arith.constant 0 : i32
    %dma_wait3A_419 = tpu.memref_slice %arg7[%dma_wait3A_417, %dma_wait3A_418] : memref<3328x32xf32, #tpu.memory_space<vmem>> -> memref<128x32xf32, #tpu.memory_space<vmem>>
    %dma_wait3A_420 = arith.constant 0 : i32
    %dma_wait3A_421 = tpu.memref_slice %arg6[%dma_wait3A_416, %dma_wait3A_420] : memref<26x128xi32, #tpu.memory_space<vmem>> -> memref<1x128xi32, #tpu.memory_space<vmem>>
    %dma_wait3A_422 = tpu.memref_squeeze %dma_wait3A_421 : memref<1x128xi32, #tpu.memory_space<vmem>> -> memref<128xi32, #tpu.memory_space<vmem>>
    %dma_wait3A_423 = arith.constant 0 : i32
    %dma_wait3A_424 = arith.constant 0 : i32
    %dma_wait3A_425 = tpu.memref_slice %arg3[%dma_wait3A_423, %dma_wait3A_424] : memref<2600000x32xf32, #tpu.memory_space<hbm>> -> memref<2600000x32xf32, #tpu.memory_space<hbm>>
    tpu.wait_indirect_dma semaphore(%arg9 : memref<!tpu.dma_semaphore, #tpu.memory_space<semaphore_mem>>) src(%dma_wait3A_425 : memref<2600000x32xf32, #tpu.memory_space<hbm>>) dst(%dma_wait3A_419 : memref<128x32xf32, #tpu.memory_space<vmem>>)
    %dma_wait3A_426 = arith.constant 16 : i32
    %dma_wait3A_427 = arith.constant 2048 : i32
    %dma_wait3A_428 = arith.constant 0 : i32
    %dma_wait3A_429 = tpu.memref_slice %arg7[%dma_wait3A_427, %dma_wait3A_428] : memref<3328x32xf32, #tpu.memory_space<vmem>> -> memref<128x32xf32, #tpu.memory_space<vmem>>
    %dma_wait3A_430 = arith.constant 0 : i32
    %dma_wait3A_431 = tpu.memref_slice %arg6[%dma_wait3A_426, %dma_wait3A_430] : memref<26x128xi32, #tpu.memory_space<vmem>> -> memref<1x128xi32, #tpu.memory_space<vmem>>
    %dma_wait3A_432 = tpu.memref_squeeze %dma_wait3A_431 : memref<1x128xi32, #tpu.memory_space<vmem>> -> memref<128xi32, #tpu.memory_space<vmem>>
    %dma_wait3A_433 = arith.constant 0 : i32
    %dma_wait3A_434 = arith.constant 0 : i32
    %dma_wait3A_435 = tpu.memref_slice %arg3[%dma_wait3A_433, %dma_wait3A_434] : memref<2600000x32xf32, #tpu.memory_space<hbm>> -> memref<2600000x32xf32, #tpu.memory_space<hbm>>
    tpu.wait_indirect_dma semaphore(%arg9 : memref<!tpu.dma_semaphore, #tpu.memory_space<semaphore_mem>>) src(%dma_wait3A_435 : memref<2600000x32xf32, #tpu.memory_space<hbm>>) dst(%dma_wait3A_429 : memref<128x32xf32, #tpu.memory_space<vmem>>)
    %dma_wait3A_436 = arith.constant 17 : i32
    %dma_wait3A_437 = arith.constant 2176 : i32
    %dma_wait3A_438 = arith.constant 0 : i32
    %dma_wait3A_439 = tpu.memref_slice %arg7[%dma_wait3A_437, %dma_wait3A_438] : memref<3328x32xf32, #tpu.memory_space<vmem>> -> memref<128x32xf32, #tpu.memory_space<vmem>>
    %dma_wait3A_440 = arith.constant 0 : i32
    %dma_wait3A_441 = tpu.memref_slice %arg6[%dma_wait3A_436, %dma_wait3A_440] : memref<26x128xi32, #tpu.memory_space<vmem>> -> memref<1x128xi32, #tpu.memory_space<vmem>>
    %dma_wait3A_442 = tpu.memref_squeeze %dma_wait3A_441 : memref<1x128xi32, #tpu.memory_space<vmem>> -> memref<128xi32, #tpu.memory_space<vmem>>
    %dma_wait3A_443 = arith.constant 0 : i32
    %dma_wait3A_444 = arith.constant 0 : i32
    %dma_wait3A_445 = tpu.memref_slice %arg3[%dma_wait3A_443, %dma_wait3A_444] : memref<2600000x32xf32, #tpu.memory_space<hbm>> -> memref<2600000x32xf32, #tpu.memory_space<hbm>>
    tpu.wait_indirect_dma semaphore(%arg9 : memref<!tpu.dma_semaphore, #tpu.memory_space<semaphore_mem>>) src(%dma_wait3A_445 : memref<2600000x32xf32, #tpu.memory_space<hbm>>) dst(%dma_wait3A_439 : memref<128x32xf32, #tpu.memory_space<vmem>>)
    %dma_wait3A_446 = arith.constant 18 : i32
    %dma_wait3A_447 = arith.constant 2304 : i32
    %dma_wait3A_448 = arith.constant 0 : i32
    %dma_wait3A_449 = tpu.memref_slice %arg7[%dma_wait3A_447, %dma_wait3A_448] : memref<3328x32xf32, #tpu.memory_space<vmem>> -> memref<128x32xf32, #tpu.memory_space<vmem>>
    %dma_wait3A_450 = arith.constant 0 : i32
    %dma_wait3A_451 = tpu.memref_slice %arg6[%dma_wait3A_446, %dma_wait3A_450] : memref<26x128xi32, #tpu.memory_space<vmem>> -> memref<1x128xi32, #tpu.memory_space<vmem>>
    %dma_wait3A_452 = tpu.memref_squeeze %dma_wait3A_451 : memref<1x128xi32, #tpu.memory_space<vmem>> -> memref<128xi32, #tpu.memory_space<vmem>>
    %dma_wait3A_453 = arith.constant 0 : i32
    %dma_wait3A_454 = arith.constant 0 : i32
    %dma_wait3A_455 = tpu.memref_slice %arg3[%dma_wait3A_453, %dma_wait3A_454] : memref<2600000x32xf32, #tpu.memory_space<hbm>> -> memref<2600000x32xf32, #tpu.memory_space<hbm>>
    tpu.wait_indirect_dma semaphore(%arg9 : memref<!tpu.dma_semaphore, #tpu.memory_space<semaphore_mem>>) src(%dma_wait3A_455 : memref<2600000x32xf32, #tpu.memory_space<hbm>>) dst(%dma_wait3A_449 : memref<128x32xf32, #tpu.memory_space<vmem>>)
    %dma_wait3A_456 = arith.constant 19 : i32
    %dma_wait3A_457 = arith.constant 2432 : i32
    %dma_wait3A_458 = arith.constant 0 : i32
    %dma_wait3A_459 = tpu.memref_slice %arg7[%dma_wait3A_457, %dma_wait3A_458] : memref<3328x32xf32, #tpu.memory_space<vmem>> -> memref<128x32xf32, #tpu.memory_space<vmem>>
    %dma_wait3A_460 = arith.constant 0 : i32
    %dma_wait3A_461 = tpu.memref_slice %arg6[%dma_wait3A_456, %dma_wait3A_460] : memref<26x128xi32, #tpu.memory_space<vmem>> -> memref<1x128xi32, #tpu.memory_space<vmem>>
    %dma_wait3A_462 = tpu.memref_squeeze %dma_wait3A_461 : memref<1x128xi32, #tpu.memory_space<vmem>> -> memref<128xi32, #tpu.memory_space<vmem>>
    %dma_wait3A_463 = arith.constant 0 : i32
    %dma_wait3A_464 = arith.constant 0 : i32
    %dma_wait3A_465 = tpu.memref_slice %arg3[%dma_wait3A_463, %dma_wait3A_464] : memref<2600000x32xf32, #tpu.memory_space<hbm>> -> memref<2600000x32xf32, #tpu.memory_space<hbm>>
    tpu.wait_indirect_dma semaphore(%arg9 : memref<!tpu.dma_semaphore, #tpu.memory_space<semaphore_mem>>) src(%dma_wait3A_465 : memref<2600000x32xf32, #tpu.memory_space<hbm>>) dst(%dma_wait3A_459 : memref<128x32xf32, #tpu.memory_space<vmem>>)
    %dma_wait3A_466 = arith.constant 20 : i32
    %dma_wait3A_467 = arith.constant 2560 : i32
    %dma_wait3A_468 = arith.constant 0 : i32
    %dma_wait3A_469 = tpu.memref_slice %arg7[%dma_wait3A_467, %dma_wait3A_468] : memref<3328x32xf32, #tpu.memory_space<vmem>> -> memref<128x32xf32, #tpu.memory_space<vmem>>
    %dma_wait3A_470 = arith.constant 0 : i32
    %dma_wait3A_471 = tpu.memref_slice %arg6[%dma_wait3A_466, %dma_wait3A_470] : memref<26x128xi32, #tpu.memory_space<vmem>> -> memref<1x128xi32, #tpu.memory_space<vmem>>
    %dma_wait3A_472 = tpu.memref_squeeze %dma_wait3A_471 : memref<1x128xi32, #tpu.memory_space<vmem>> -> memref<128xi32, #tpu.memory_space<vmem>>
    %dma_wait3A_473 = arith.constant 0 : i32
    %dma_wait3A_474 = arith.constant 0 : i32
    %dma_wait3A_475 = tpu.memref_slice %arg3[%dma_wait3A_473, %dma_wait3A_474] : memref<2600000x32xf32, #tpu.memory_space<hbm>> -> memref<2600000x32xf32, #tpu.memory_space<hbm>>
    tpu.wait_indirect_dma semaphore(%arg9 : memref<!tpu.dma_semaphore, #tpu.memory_space<semaphore_mem>>) src(%dma_wait3A_475 : memref<2600000x32xf32, #tpu.memory_space<hbm>>) dst(%dma_wait3A_469 : memref<128x32xf32, #tpu.memory_space<vmem>>)
    %dma_wait3A_476 = arith.constant 21 : i32
    %dma_wait3A_477 = arith.constant 2688 : i32
    %dma_wait3A_478 = arith.constant 0 : i32
    %dma_wait3A_479 = tpu.memref_slice %arg7[%dma_wait3A_477, %dma_wait3A_478] : memref<3328x32xf32, #tpu.memory_space<vmem>> -> memref<128x32xf32, #tpu.memory_space<vmem>>
    %dma_wait3A_480 = arith.constant 0 : i32
    %dma_wait3A_481 = tpu.memref_slice %arg6[%dma_wait3A_476, %dma_wait3A_480] : memref<26x128xi32, #tpu.memory_space<vmem>> -> memref<1x128xi32, #tpu.memory_space<vmem>>
    %dma_wait3A_482 = tpu.memref_squeeze %dma_wait3A_481 : memref<1x128xi32, #tpu.memory_space<vmem>> -> memref<128xi32, #tpu.memory_space<vmem>>
    %dma_wait3A_483 = arith.constant 0 : i32
    %dma_wait3A_484 = arith.constant 0 : i32
    %dma_wait3A_485 = tpu.memref_slice %arg3[%dma_wait3A_483, %dma_wait3A_484] : memref<2600000x32xf32, #tpu.memory_space<hbm>> -> memref<2600000x32xf32, #tpu.memory_space<hbm>>
    tpu.wait_indirect_dma semaphore(%arg9 : memref<!tpu.dma_semaphore, #tpu.memory_space<semaphore_mem>>) src(%dma_wait3A_485 : memref<2600000x32xf32, #tpu.memory_space<hbm>>) dst(%dma_wait3A_479 : memref<128x32xf32, #tpu.memory_space<vmem>>)
    %dma_wait3A_486 = arith.constant 22 : i32
    %dma_wait3A_487 = arith.constant 2816 : i32
    %dma_wait3A_488 = arith.constant 0 : i32
    %dma_wait3A_489 = tpu.memref_slice %arg7[%dma_wait3A_487, %dma_wait3A_488] : memref<3328x32xf32, #tpu.memory_space<vmem>> -> memref<128x32xf32, #tpu.memory_space<vmem>>
    %dma_wait3A_490 = arith.constant 0 : i32
    %dma_wait3A_491 = tpu.memref_slice %arg6[%dma_wait3A_486, %dma_wait3A_490] : memref<26x128xi32, #tpu.memory_space<vmem>> -> memref<1x128xi32, #tpu.memory_space<vmem>>
    %dma_wait3A_492 = tpu.memref_squeeze %dma_wait3A_491 : memref<1x128xi32, #tpu.memory_space<vmem>> -> memref<128xi32, #tpu.memory_space<vmem>>
    %dma_wait3A_493 = arith.constant 0 : i32
    %dma_wait3A_494 = arith.constant 0 : i32
    %dma_wait3A_495 = tpu.memref_slice %arg3[%dma_wait3A_493, %dma_wait3A_494] : memref<2600000x32xf32, #tpu.memory_space<hbm>> -> memref<2600000x32xf32, #tpu.memory_space<hbm>>
    tpu.wait_indirect_dma semaphore(%arg9 : memref<!tpu.dma_semaphore, #tpu.memory_space<semaphore_mem>>) src(%dma_wait3A_495 : memref<2600000x32xf32, #tpu.memory_space<hbm>>) dst(%dma_wait3A_489 : memref<128x32xf32, #tpu.memory_space<vmem>>)
    %dma_wait3A_496 = arith.constant 23 : i32
    %dma_wait3A_497 = arith.constant 2944 : i32
    %dma_wait3A_498 = arith.constant 0 : i32
    %dma_wait3A_499 = tpu.memref_slice %arg7[%dma_wait3A_497, %dma_wait3A_498] : memref<3328x32xf32, #tpu.memory_space<vmem>> -> memref<128x32xf32, #tpu.memory_space<vmem>>
    %dma_wait3A_500 = arith.constant 0 : i32
    %dma_wait3A_501 = tpu.memref_slice %arg6[%dma_wait3A_496, %dma_wait3A_500] : memref<26x128xi32, #tpu.memory_space<vmem>> -> memref<1x128xi32, #tpu.memory_space<vmem>>
    %dma_wait3A_502 = tpu.memref_squeeze %dma_wait3A_501 : memref<1x128xi32, #tpu.memory_space<vmem>> -> memref<128xi32, #tpu.memory_space<vmem>>
    %dma_wait3A_503 = arith.constant 0 : i32
    %dma_wait3A_504 = arith.constant 0 : i32
    %dma_wait3A_505 = tpu.memref_slice %arg3[%dma_wait3A_503, %dma_wait3A_504] : memref<2600000x32xf32, #tpu.memory_space<hbm>> -> memref<2600000x32xf32, #tpu.memory_space<hbm>>
    tpu.wait_indirect_dma semaphore(%arg9 : memref<!tpu.dma_semaphore, #tpu.memory_space<semaphore_mem>>) src(%dma_wait3A_505 : memref<2600000x32xf32, #tpu.memory_space<hbm>>) dst(%dma_wait3A_499 : memref<128x32xf32, #tpu.memory_space<vmem>>)
    %dma_wait3A_506 = arith.constant 24 : i32
    %dma_wait3A_507 = arith.constant 3072 : i32
    %dma_wait3A_508 = arith.constant 0 : i32
    %dma_wait3A_509 = tpu.memref_slice %arg7[%dma_wait3A_507, %dma_wait3A_508] : memref<3328x32xf32, #tpu.memory_space<vmem>> -> memref<128x32xf32, #tpu.memory_space<vmem>>
    %dma_wait3A_510 = arith.constant 0 : i32
    %dma_wait3A_511 = tpu.memref_slice %arg6[%dma_wait3A_506, %dma_wait3A_510] : memref<26x128xi32, #tpu.memory_space<vmem>> -> memref<1x128xi32, #tpu.memory_space<vmem>>
    %dma_wait3A_512 = tpu.memref_squeeze %dma_wait3A_511 : memref<1x128xi32, #tpu.memory_space<vmem>> -> memref<128xi32, #tpu.memory_space<vmem>>
    %dma_wait3A_513 = arith.constant 0 : i32
    %dma_wait3A_514 = arith.constant 0 : i32
    %dma_wait3A_515 = tpu.memref_slice %arg3[%dma_wait3A_513, %dma_wait3A_514] : memref<2600000x32xf32, #tpu.memory_space<hbm>> -> memref<2600000x32xf32, #tpu.memory_space<hbm>>
    tpu.wait_indirect_dma semaphore(%arg9 : memref<!tpu.dma_semaphore, #tpu.memory_space<semaphore_mem>>) src(%dma_wait3A_515 : memref<2600000x32xf32, #tpu.memory_space<hbm>>) dst(%dma_wait3A_509 : memref<128x32xf32, #tpu.memory_space<vmem>>)
    %dma_wait3A_516 = arith.constant 25 : i32
    %dma_wait3A_517 = arith.constant 3200 : i32
    %dma_wait3A_518 = arith.constant 0 : i32
    %dma_wait3A_519 = tpu.memref_slice %arg7[%dma_wait3A_517, %dma_wait3A_518] : memref<3328x32xf32, #tpu.memory_space<vmem>> -> memref<128x32xf32, #tpu.memory_space<vmem>>
    %dma_wait3A_520 = arith.constant 0 : i32
    %dma_wait3A_521 = tpu.memref_slice %arg6[%dma_wait3A_516, %dma_wait3A_520] : memref<26x128xi32, #tpu.memory_space<vmem>> -> memref<1x128xi32, #tpu.memory_space<vmem>>
    %dma_wait3A_522 = tpu.memref_squeeze %dma_wait3A_521 : memref<1x128xi32, #tpu.memory_space<vmem>> -> memref<128xi32, #tpu.memory_space<vmem>>
    %dma_wait3A_523 = arith.constant 0 : i32
    %dma_wait3A_524 = arith.constant 0 : i32
    %dma_wait3A_525 = tpu.memref_slice %arg3[%dma_wait3A_523, %dma_wait3A_524] : memref<2600000x32xf32, #tpu.memory_space<hbm>> -> memref<2600000x32xf32, #tpu.memory_space<hbm>>
    tpu.wait_indirect_dma semaphore(%arg9 : memref<!tpu.dma_semaphore, #tpu.memory_space<semaphore_mem>>) src(%dma_wait3A_525 : memref<2600000x32xf32, #tpu.memory_space<hbm>>) dst(%dma_wait3A_519 : memref<128x32xf32, #tpu.memory_space<vmem>>)
    %scan3A_526 = arith.constant 0 : i32
    %scan3A_527 = arith.constant 0 : i32
    %scan3A_528 = arith.constant 128 : i32
    %scan3A_529 = arith.addi %scan3A_527, %scan3A_528 : i32
    %scan3A_530 = arith.constant 1 : i32
    scf.for %scan3A_534 = %scan3A_527 to %scan3A_529 step %scan3A_530  : i32 {
      %get3A = arith.index_cast %scan3A_534 : i32 to index
      %get3A_535 = arith.constant 0 : index
      %get3A_536 = tpu.vector_load %arg8[%get3A, %get3A_535] {strides = array<i32>} : memref<128x32xf32, #tpu.memory_space<vmem>>, vector<1x16xf32>,
      %get3A_537 = vector.shape_cast %get3A_536 : vector<1x16xf32> to vector<16xf32>
      %get3A_538 = arith.index_cast %scan3A_534 : i32 to index
      %get3A_539 = arith.constant 16 : index
      %get3A_540 = tpu.vector_load %arg8[%get3A_538, %get3A_539] {strides = array<i32>} : memref<128x32xf32, #tpu.memory_space<vmem>>, vector<1x16xf32>,
      %get3A_541 = vector.shape_cast %get3A_540 : vector<1x16xf32> to vector<16xf32>
      %mul3A_542 = arith.constant 26 : i32
      %mul3A_543 = arith.muli %scan3A_534, %mul3A_542 : i32
      %add3A_544 = arith.constant 0 : i32
      %add3A_545 = arith.addi %mul3A_543, %add3A_544 : i32
      %swap3A = arith.index_cast %add3A_545 : i32 to index
      %swap3A_546 = arith.constant 0 : index
      %swap3A_547 = tpu.vector_load %arg7[%swap3A, %swap3A_546] {strides = array<i32>} : memref<3328x32xf32, #tpu.memory_space<vmem>>, vector<1x16xf32>,
      %swap3A_548 = vector.shape_cast %swap3A_547 : vector<1x16xf32> to vector<16xf32>
      %swap3A_549 = vector.shape_cast %get3A_537 : vector<16xf32> to vector<1x16xf32>
      tpu.vector_store %arg7[%swap3A, %swap3A_546], %swap3A_549 {add = true, strides = array<i32>} : memref<3328x32xf32, #tpu.memory_space<vmem>>, vector<1x16xf32>,
      %add3A_550 = arith.constant 0 : i32
      %add3A_551 = arith.addi %mul3A_543, %add3A_550 : i32
      %swap3A_552 = arith.index_cast %add3A_551 : i32 to index
      %swap3A_553 = arith.constant 16 : index
      %swap3A_554 = tpu.vector_load %arg7[%swap3A_552, %swap3A_553] {strides = array<i32>} : memref<3328x32xf32, #tpu.memory_space<vmem>>, vector<1x16xf32>,
      %swap3A_555 = vector.shape_cast %swap3A_554 : vector<1x16xf32> to vector<16xf32>
      %swap3A_556 = vector.shape_cast %get3A_541 : vector<16xf32> to vector<1x16xf32>
      tpu.vector_store %arg7[%swap3A_552, %swap3A_553], %swap3A_556 {add = true, strides = array<i32>} : memref<3328x32xf32, #tpu.memory_space<vmem>>, vector<1x16xf32>,
      %add3A_557 = arith.constant 1 : i32
      %add3A_558 = arith.addi %mul3A_543, %add3A_557 : i32
      %swap3A_559 = arith.index_cast %add3A_558 : i32 to index
      %swap3A_560 = arith.constant 0 : index
      %swap3A_561 = tpu.vector_load %arg7[%swap3A_559, %swap3A_560] {strides = array<i32>} : memref<3328x32xf32, #tpu.memory_space<vmem>>, vector<1x16xf32>,
      %swap3A_562 = vector.shape_cast %swap3A_561 : vector<1x16xf32> to vector<16xf32>
      %swap3A_563 = vector.shape_cast %get3A_537 : vector<16xf32> to vector<1x16xf32>
      tpu.vector_store %arg7[%swap3A_559, %swap3A_560], %swap3A_563 {add = true, strides = array<i32>} : memref<3328x32xf32, #tpu.memory_space<vmem>>, vector<1x16xf32>,
      %add3A_564 = arith.constant 1 : i32
      %add3A_565 = arith.addi %mul3A_543, %add3A_564 : i32
      %swap3A_566 = arith.index_cast %add3A_565 : i32 to index
      %swap3A_567 = arith.constant 16 : index
      %swap3A_568 = tpu.vector_load %arg7[%swap3A_566, %swap3A_567] {strides = array<i32>} : memref<3328x32xf32, #tpu.memory_space<vmem>>, vector<1x16xf32>,
      %swap3A_569 = vector.shape_cast %swap3A_568 : vector<1x16xf32> to vector<16xf32>
      %swap3A_570 = vector.shape_cast %get3A_541 : vector<16xf32> to vector<1x16xf32>
      tpu.vector_store %arg7[%swap3A_566, %swap3A_567], %swap3A_570 {add = true, strides = array<i32>} : memref<3328x32xf32, #tpu.memory_space<vmem>>, vector<1x16xf32>,
      %add3A_571 = arith.constant 2 : i32
      %add3A_572 = arith.addi %mul3A_543, %add3A_571 : i32
      %swap3A_573 = arith.index_cast %add3A_572 : i32 to index
      %swap3A_574 = arith.constant 0 : index
      %swap3A_575 = tpu.vector_load %arg7[%swap3A_573, %swap3A_574] {strides = array<i32>} : memref<3328x32xf32, #tpu.memory_space<vmem>>, vector<1x16xf32>,
      %swap3A_576 = vector.shape_cast %swap3A_575 : vector<1x16xf32> to vector<16xf32>
      %swap3A_577 = vector.shape_cast %get3A_537 : vector<16xf32> to vector<1x16xf32>
      tpu.vector_store %arg7[%swap3A_573, %swap3A_574], %swap3A_577 {add = true, strides = array<i32>} : memref<3328x32xf32, #tpu.memory_space<vmem>>, vector<1x16xf32>,
      %add3A_578 = arith.constant 2 : i32
      %add3A_579 = arith.addi %mul3A_543, %add3A_578 : i32
      %swap3A_580 = arith.index_cast %add3A_579 : i32 to index
      %swap3A_581 = arith.constant 16 : index
      %swap3A_582 = tpu.vector_load %arg7[%swap3A_580, %swap3A_581] {strides = array<i32>} : memref<3328x32xf32, #tpu.memory_space<vmem>>, vector<1x16xf32>,
      %swap3A_583 = vector.shape_cast %swap3A_582 : vector<1x16xf32> to vector<16xf32>
      %swap3A_584 = vector.shape_cast %get3A_541 : vector<16xf32> to vector<1x16xf32>
      tpu.vector_store %arg7[%swap3A_580, %swap3A_581], %swap3A_584 {add = true, strides = array<i32>} : memref<3328x32xf32, #tpu.memory_space<vmem>>, vector<1x16xf32>,
      %add3A_585 = arith.constant 3 : i32
      %add3A_586 = arith.addi %mul3A_543, %add3A_585 : i32
      %swap3A_587 = arith.index_cast %add3A_586 : i32 to index
      %swap3A_588 = arith.constant 0 : index
      %swap3A_589 = tpu.vector_load %arg7[%swap3A_587, %swap3A_588] {strides = array<i32>} : memref<3328x32xf32, #tpu.memory_space<vmem>>, vector<1x16xf32>,
      %swap3A_590 = vector.shape_cast %swap3A_589 : vector<1x16xf32> to vector<16xf32>
      %swap3A_591 = vector.shape_cast %get3A_537 : vector<16xf32> to vector<1x16xf32>
      tpu.vector_store %arg7[%swap3A_587, %swap3A_588], %swap3A_591 {add = true, strides = array<i32>} : memref<3328x32xf32, #tpu.memory_space<vmem>>, vector<1x16xf32>,
      %add3A_592 = arith.constant 3 : i32
      %add3A_593 = arith.addi %mul3A_543, %add3A_592 : i32
      %swap3A_594 = arith.index_cast %add3A_593 : i32 to index
      %swap3A_595 = arith.constant 16 : index
      %swap3A_596 = tpu.vector_load %arg7[%swap3A_594, %swap3A_595] {strides = array<i32>} : memref<3328x32xf32, #tpu.memory_space<vmem>>, vector<1x16xf32>,
      %swap3A_597 = vector.shape_cast %swap3A_596 : vector<1x16xf32> to vector<16xf32>
      %swap3A_598 = vector.shape_cast %get3A_541 : vector<16xf32> to vector<1x16xf32>
      tpu.vector_store %arg7[%swap3A_594, %swap3A_595], %swap3A_598 {add = true, strides = array<i32>} : memref<3328x32xf32, #tpu.memory_space<vmem>>, vector<1x16xf32>,
      %add3A_599 = arith.constant 4 : i32
      %add3A_600 = arith.addi %mul3A_543, %add3A_599 : i32
      %swap3A_601 = arith.index_cast %add3A_600 : i32 to index
      %swap3A_602 = arith.constant 0 : index
      %swap3A_603 = tpu.vector_load %arg7[%swap3A_601, %swap3A_602] {strides = array<i32>} : memref<3328x32xf32, #tpu.memory_space<vmem>>, vector<1x16xf32>,
      %swap3A_604 = vector.shape_cast %swap3A_603 : vector<1x16xf32> to vector<16xf32>
      %swap3A_605 = vector.shape_cast %get3A_537 : vector<16xf32> to vector<1x16xf32>
      tpu.vector_store %arg7[%swap3A_601, %swap3A_602], %swap3A_605 {add = true, strides = array<i32>} : memref<3328x32xf32, #tpu.memory_space<vmem>>, vector<1x16xf32>,
      %add3A_606 = arith.constant 4 : i32
      %add3A_607 = arith.addi %mul3A_543, %add3A_606 : i32
      %swap3A_608 = arith.index_cast %add3A_607 : i32 to index
      %swap3A_609 = arith.constant 16 : index
      %swap3A_610 = tpu.vector_load %arg7[%swap3A_608, %swap3A_609] {strides = array<i32>} : memref<3328x32xf32, #tpu.memory_space<vmem>>, vector<1x16xf32>,
      %swap3A_611 = vector.shape_cast %swap3A_610 : vector<1x16xf32> to vector<16xf32>
      %swap3A_612 = vector.shape_cast %get3A_541 : vector<16xf32> to vector<1x16xf32>
      tpu.vector_store %arg7[%swap3A_608, %swap3A_609], %swap3A_612 {add = true, strides = array<i32>} : memref<3328x32xf32, #tpu.memory_space<vmem>>, vector<1x16xf32>,
      %add3A_613 = arith.constant 5 : i32
      %add3A_614 = arith.addi %mul3A_543, %add3A_613 : i32
      %swap3A_615 = arith.index_cast %add3A_614 : i32 to index
      %swap3A_616 = arith.constant 0 : index
      %swap3A_617 = tpu.vector_load %arg7[%swap3A_615, %swap3A_616] {strides = array<i32>} : memref<3328x32xf32, #tpu.memory_space<vmem>>, vector<1x16xf32>,
      %swap3A_618 = vector.shape_cast %swap3A_617 : vector<1x16xf32> to vector<16xf32>
      %swap3A_619 = vector.shape_cast %get3A_537 : vector<16xf32> to vector<1x16xf32>
      tpu.vector_store %arg7[%swap3A_615, %swap3A_616], %swap3A_619 {add = true, strides = array<i32>} : memref<3328x32xf32, #tpu.memory_space<vmem>>, vector<1x16xf32>,
      %add3A_620 = arith.constant 5 : i32
      %add3A_621 = arith.addi %mul3A_543, %add3A_620 : i32
      %swap3A_622 = arith.index_cast %add3A_621 : i32 to index
      %swap3A_623 = arith.constant 16 : index
      %swap3A_624 = tpu.vector_load %arg7[%swap3A_622, %swap3A_623] {strides = array<i32>} : memref<3328x32xf32, #tpu.memory_space<vmem>>, vector<1x16xf32>,
      %swap3A_625 = vector.shape_cast %swap3A_624 : vector<1x16xf32> to vector<16xf32>
      %swap3A_626 = vector.shape_cast %get3A_541 : vector<16xf32> to vector<1x16xf32>
      tpu.vector_store %arg7[%swap3A_622, %swap3A_623], %swap3A_626 {add = true, strides = array<i32>} : memref<3328x32xf32, #tpu.memory_space<vmem>>, vector<1x16xf32>,
      %add3A_627 = arith.constant 6 : i32
      %add3A_628 = arith.addi %mul3A_543, %add3A_627 : i32
      %swap3A_629 = arith.index_cast %add3A_628 : i32 to index
      %swap3A_630 = arith.constant 0 : index
      %swap3A_631 = tpu.vector_load %arg7[%swap3A_629, %swap3A_630] {strides = array<i32>} : memref<3328x32xf32, #tpu.memory_space<vmem>>, vector<1x16xf32>,
      %swap3A_632 = vector.shape_cast %swap3A_631 : vector<1x16xf32> to vector<16xf32>
      %swap3A_633 = vector.shape_cast %get3A_537 : vector<16xf32> to vector<1x16xf32>
      tpu.vector_store %arg7[%swap3A_629, %swap3A_630], %swap3A_633 {add = true, strides = array<i32>} : memref<3328x32xf32, #tpu.memory_space<vmem>>, vector<1x16xf32>,
      %add3A_634 = arith.constant 6 : i32
      %add3A_635 = arith.addi %mul3A_543, %add3A_634 : i32
      %swap3A_636 = arith.index_cast %add3A_635 : i32 to index
      %swap3A_637 = arith.constant 16 : index
      %swap3A_638 = tpu.vector_load %arg7[%swap3A_636, %swap3A_637] {strides = array<i32>} : memref<3328x32xf32, #tpu.memory_space<vmem>>, vector<1x16xf32>,
      %swap3A_639 = vector.shape_cast %swap3A_638 : vector<1x16xf32> to vector<16xf32>
      %swap3A_640 = vector.shape_cast %get3A_541 : vector<16xf32> to vector<1x16xf32>
      tpu.vector_store %arg7[%swap3A_636, %swap3A_637], %swap3A_640 {add = true, strides = array<i32>} : memref<3328x32xf32, #tpu.memory_space<vmem>>, vector<1x16xf32>,
      %add3A_641 = arith.constant 7 : i32
      %add3A_642 = arith.addi %mul3A_543, %add3A_641 : i32
      %swap3A_643 = arith.index_cast %add3A_642 : i32 to index
      %swap3A_644 = arith.constant 0 : index
      %swap3A_645 = tpu.vector_load %arg7[%swap3A_643, %swap3A_644] {strides = array<i32>} : memref<3328x32xf32, #tpu.memory_space<vmem>>, vector<1x16xf32>,
      %swap3A_646 = vector.shape_cast %swap3A_645 : vector<1x16xf32> to vector<16xf32>
      %swap3A_647 = vector.shape_cast %get3A_537 : vector<16xf32> to vector<1x16xf32>
      tpu.vector_store %arg7[%swap3A_643, %swap3A_644], %swap3A_647 {add = true, strides = array<i32>} : memref<3328x32xf32, #tpu.memory_space<vmem>>, vector<1x16xf32>,
      %add3A_648 = arith.constant 7 : i32
      %add3A_649 = arith.addi %mul3A_543, %add3A_648 : i32
      %swap3A_650 = arith.index_cast %add3A_649 : i32 to index
      %swap3A_651 = arith.constant 16 : index
      %swap3A_652 = tpu.vector_load %arg7[%swap3A_650, %swap3A_651] {strides = array<i32>} : memref<3328x32xf32, #tpu.memory_space<vmem>>, vector<1x16xf32>,
      %swap3A_653 = vector.shape_cast %swap3A_652 : vector<1x16xf32> to vector<16xf32>
      %swap3A_654 = vector.shape_cast %get3A_541 : vector<16xf32> to vector<1x16xf32>
      tpu.vector_store %arg7[%swap3A_650, %swap3A_651], %swap3A_654 {add = true, strides = array<i32>} : memref<3328x32xf32, #tpu.memory_space<vmem>>, vector<1x16xf32>,
      %add3A_655 = arith.constant 8 : i32
      %add3A_656 = arith.addi %mul3A_543, %add3A_655 : i32
      %swap3A_657 = arith.index_cast %add3A_656 : i32 to index
      %swap3A_658 = arith.constant 0 : index
      %swap3A_659 = tpu.vector_load %arg7[%swap3A_657, %swap3A_658] {strides = array<i32>} : memref<3328x32xf32, #tpu.memory_space<vmem>>, vector<1x16xf32>,
      %swap3A_660 = vector.shape_cast %swap3A_659 : vector<1x16xf32> to vector<16xf32>
      %swap3A_661 = vector.shape_cast %get3A_537 : vector<16xf32> to vector<1x16xf32>
      tpu.vector_store %arg7[%swap3A_657, %swap3A_658], %swap3A_661 {add = true, strides = array<i32>} : memref<3328x32xf32, #tpu.memory_space<vmem>>, vector<1x16xf32>,
      %add3A_662 = arith.constant 8 : i32
      %add3A_663 = arith.addi %mul3A_543, %add3A_662 : i32
      %swap3A_664 = arith.index_cast %add3A_663 : i32 to index
      %swap3A_665 = arith.constant 16 : index
      %swap3A_666 = tpu.vector_load %arg7[%swap3A_664, %swap3A_665] {strides = array<i32>} : memref<3328x32xf32, #tpu.memory_space<vmem>>, vector<1x16xf32>,
      %swap3A_667 = vector.shape_cast %swap3A_666 : vector<1x16xf32> to vector<16xf32>
      %swap3A_668 = vector.shape_cast %get3A_541 : vector<16xf32> to vector<1x16xf32>
      tpu.vector_store %arg7[%swap3A_664, %swap3A_665], %swap3A_668 {add = true, strides = array<i32>} : memref<3328x32xf32, #tpu.memory_space<vmem>>, vector<1x16xf32>,
      %add3A_669 = arith.constant 9 : i32
      %add3A_670 = arith.addi %mul3A_543, %add3A_669 : i32
      %swap3A_671 = arith.index_cast %add3A_670 : i32 to index
      %swap3A_672 = arith.constant 0 : index
      %swap3A_673 = tpu.vector_load %arg7[%swap3A_671, %swap3A_672] {strides = array<i32>} : memref<3328x32xf32, #tpu.memory_space<vmem>>, vector<1x16xf32>,
      %swap3A_674 = vector.shape_cast %swap3A_673 : vector<1x16xf32> to vector<16xf32>
      %swap3A_675 = vector.shape_cast %get3A_537 : vector<16xf32> to vector<1x16xf32>
      tpu.vector_store %arg7[%swap3A_671, %swap3A_672], %swap3A_675 {add = true, strides = array<i32>} : memref<3328x32xf32, #tpu.memory_space<vmem>>, vector<1x16xf32>,
      %add3A_676 = arith.constant 9 : i32
      %add3A_677 = arith.addi %mul3A_543, %add3A_676 : i32
      %swap3A_678 = arith.index_cast %add3A_677 : i32 to index
      %swap3A_679 = arith.constant 16 : index
      %swap3A_680 = tpu.vector_load %arg7[%swap3A_678, %swap3A_679] {strides = array<i32>} : memref<3328x32xf32, #tpu.memory_space<vmem>>, vector<1x16xf32>,
      %swap3A_681 = vector.shape_cast %swap3A_680 : vector<1x16xf32> to vector<16xf32>
      %swap3A_682 = vector.shape_cast %get3A_541 : vector<16xf32> to vector<1x16xf32>
      tpu.vector_store %arg7[%swap3A_678, %swap3A_679], %swap3A_682 {add = true, strides = array<i32>} : memref<3328x32xf32, #tpu.memory_space<vmem>>, vector<1x16xf32>,
      %add3A_683 = arith.constant 10 : i32
      %add3A_684 = arith.addi %mul3A_543, %add3A_683 : i32
      %swap3A_685 = arith.index_cast %add3A_684 : i32 to index
      %swap3A_686 = arith.constant 0 : index
      %swap3A_687 = tpu.vector_load %arg7[%swap3A_685, %swap3A_686] {strides = array<i32>} : memref<3328x32xf32, #tpu.memory_space<vmem>>, vector<1x16xf32>,
      %swap3A_688 = vector.shape_cast %swap3A_687 : vector<1x16xf32> to vector<16xf32>
      %swap3A_689 = vector.shape_cast %get3A_537 : vector<16xf32> to vector<1x16xf32>
      tpu.vector_store %arg7[%swap3A_685, %swap3A_686], %swap3A_689 {add = true, strides = array<i32>} : memref<3328x32xf32, #tpu.memory_space<vmem>>, vector<1x16xf32>,
      %add3A_690 = arith.constant 10 : i32
      %add3A_691 = arith.addi %mul3A_543, %add3A_690 : i32
      %swap3A_692 = arith.index_cast %add3A_691 : i32 to index
      %swap3A_693 = arith.constant 16 : index
      %swap3A_694 = tpu.vector_load %arg7[%swap3A_692, %swap3A_693] {strides = array<i32>} : memref<3328x32xf32, #tpu.memory_space<vmem>>, vector<1x16xf32>,
      %swap3A_695 = vector.shape_cast %swap3A_694 : vector<1x16xf32> to vector<16xf32>
      %swap3A_696 = vector.shape_cast %get3A_541 : vector<16xf32> to vector<1x16xf32>
      tpu.vector_store %arg7[%swap3A_692, %swap3A_693], %swap3A_696 {add = true, strides = array<i32>} : memref<3328x32xf32, #tpu.memory_space<vmem>>, vector<1x16xf32>,
      %add3A_697 = arith.constant 11 : i32
      %add3A_698 = arith.addi %mul3A_543, %add3A_697 : i32
      %swap3A_699 = arith.index_cast %add3A_698 : i32 to index
      %swap3A_700 = arith.constant 0 : index
      %swap3A_701 = tpu.vector_load %arg7[%swap3A_699, %swap3A_700] {strides = array<i32>} : memref<3328x32xf32, #tpu.memory_space<vmem>>, vector<1x16xf32>,
      %swap3A_702 = vector.shape_cast %swap3A_701 : vector<1x16xf32> to vector<16xf32>
      %swap3A_703 = vector.shape_cast %get3A_537 : vector<16xf32> to vector<1x16xf32>
      tpu.vector_store %arg7[%swap3A_699, %swap3A_700], %swap3A_703 {add = true, strides = array<i32>} : memref<3328x32xf32, #tpu.memory_space<vmem>>, vector<1x16xf32>,
      %add3A_704 = arith.constant 11 : i32
      %add3A_705 = arith.addi %mul3A_543, %add3A_704 : i32
      %swap3A_706 = arith.index_cast %add3A_705 : i32 to index
      %swap3A_707 = arith.constant 16 : index
      %swap3A_708 = tpu.vector_load %arg7[%swap3A_706, %swap3A_707] {strides = array<i32>} : memref<3328x32xf32, #tpu.memory_space<vmem>>, vector<1x16xf32>,
      %swap3A_709 = vector.shape_cast %swap3A_708 : vector<1x16xf32> to vector<16xf32>
      %swap3A_710 = vector.shape_cast %get3A_541 : vector<16xf32> to vector<1x16xf32>
      tpu.vector_store %arg7[%swap3A_706, %swap3A_707], %swap3A_710 {add = true, strides = array<i32>} : memref<3328x32xf32, #tpu.memory_space<vmem>>, vector<1x16xf32>,
      %add3A_711 = arith.constant 12 : i32
      %add3A_712 = arith.addi %mul3A_543, %add3A_711 : i32
      %swap3A_713 = arith.index_cast %add3A_712 : i32 to index
      %swap3A_714 = arith.constant 0 : index
      %swap3A_715 = tpu.vector_load %arg7[%swap3A_713, %swap3A_714] {strides = array<i32>} : memref<3328x32xf32, #tpu.memory_space<vmem>>, vector<1x16xf32>,
      %swap3A_716 = vector.shape_cast %swap3A_715 : vector<1x16xf32> to vector<16xf32>
      %swap3A_717 = vector.shape_cast %get3A_537 : vector<16xf32> to vector<1x16xf32>
      tpu.vector_store %arg7[%swap3A_713, %swap3A_714], %swap3A_717 {add = true, strides = array<i32>} : memref<3328x32xf32, #tpu.memory_space<vmem>>, vector<1x16xf32>,
      %add3A_718 = arith.constant 12 : i32
      %add3A_719 = arith.addi %mul3A_543, %add3A_718 : i32
      %swap3A_720 = arith.index_cast %add3A_719 : i32 to index
      %swap3A_721 = arith.constant 16 : index
      %swap3A_722 = tpu.vector_load %arg7[%swap3A_720, %swap3A_721] {strides = array<i32>} : memref<3328x32xf32, #tpu.memory_space<vmem>>, vector<1x16xf32>,
      %swap3A_723 = vector.shape_cast %swap3A_722 : vector<1x16xf32> to vector<16xf32>
      %swap3A_724 = vector.shape_cast %get3A_541 : vector<16xf32> to vector<1x16xf32>
      tpu.vector_store %arg7[%swap3A_720, %swap3A_721], %swap3A_724 {add = true, strides = array<i32>} : memref<3328x32xf32, #tpu.memory_space<vmem>>, vector<1x16xf32>,
      %add3A_725 = arith.constant 13 : i32
      %add3A_726 = arith.addi %mul3A_543, %add3A_725 : i32
      %swap3A_727 = arith.index_cast %add3A_726 : i32 to index
      %swap3A_728 = arith.constant 0 : index
      %swap3A_729 = tpu.vector_load %arg7[%swap3A_727, %swap3A_728] {strides = array<i32>} : memref<3328x32xf32, #tpu.memory_space<vmem>>, vector<1x16xf32>,
      %swap3A_730 = vector.shape_cast %swap3A_729 : vector<1x16xf32> to vector<16xf32>
      %swap3A_731 = vector.shape_cast %get3A_537 : vector<16xf32> to vector<1x16xf32>
      tpu.vector_store %arg7[%swap3A_727, %swap3A_728], %swap3A_731 {add = true, strides = array<i32>} : memref<3328x32xf32, #tpu.memory_space<vmem>>, vector<1x16xf32>,
      %add3A_732 = arith.constant 13 : i32
      %add3A_733 = arith.addi %mul3A_543, %add3A_732 : i32
      %swap3A_734 = arith.index_cast %add3A_733 : i32 to index
      %swap3A_735 = arith.constant 16 : index
      %swap3A_736 = tpu.vector_load %arg7[%swap3A_734, %swap3A_735] {strides = array<i32>} : memref<3328x32xf32, #tpu.memory_space<vmem>>, vector<1x16xf32>,
      %swap3A_737 = vector.shape_cast %swap3A_736 : vector<1x16xf32> to vector<16xf32>
      %swap3A_738 = vector.shape_cast %get3A_541 : vector<16xf32> to vector<1x16xf32>
      tpu.vector_store %arg7[%swap3A_734, %swap3A_735], %swap3A_738 {add = true, strides = array<i32>} : memref<3328x32xf32, #tpu.memory_space<vmem>>, vector<1x16xf32>,
      %add3A_739 = arith.constant 14 : i32
      %add3A_740 = arith.addi %mul3A_543, %add3A_739 : i32
      %swap3A_741 = arith.index_cast %add3A_740 : i32 to index
      %swap3A_742 = arith.constant 0 : index
      %swap3A_743 = tpu.vector_load %arg7[%swap3A_741, %swap3A_742] {strides = array<i32>} : memref<3328x32xf32, #tpu.memory_space<vmem>>, vector<1x16xf32>,
      %swap3A_744 = vector.shape_cast %swap3A_743 : vector<1x16xf32> to vector<16xf32>
      %swap3A_745 = vector.shape_cast %get3A_537 : vector<16xf32> to vector<1x16xf32>
      tpu.vector_store %arg7[%swap3A_741, %swap3A_742], %swap3A_745 {add = true, strides = array<i32>} : memref<3328x32xf32, #tpu.memory_space<vmem>>, vector<1x16xf32>,
      %add3A_746 = arith.constant 14 : i32
      %add3A_747 = arith.addi %mul3A_543, %add3A_746 : i32
      %swap3A_748 = arith.index_cast %add3A_747 : i32 to index
      %swap3A_749 = arith.constant 16 : index
      %swap3A_750 = tpu.vector_load %arg7[%swap3A_748, %swap3A_749] {strides = array<i32>} : memref<3328x32xf32, #tpu.memory_space<vmem>>, vector<1x16xf32>,
      %swap3A_751 = vector.shape_cast %swap3A_750 : vector<1x16xf32> to vector<16xf32>
      %swap3A_752 = vector.shape_cast %get3A_541 : vector<16xf32> to vector<1x16xf32>
      tpu.vector_store %arg7[%swap3A_748, %swap3A_749], %swap3A_752 {add = true, strides = array<i32>} : memref<3328x32xf32, #tpu.memory_space<vmem>>, vector<1x16xf32>,
      %add3A_753 = arith.constant 15 : i32
      %add3A_754 = arith.addi %mul3A_543, %add3A_753 : i32
      %swap3A_755 = arith.index_cast %add3A_754 : i32 to index
      %swap3A_756 = arith.constant 0 : index
      %swap3A_757 = tpu.vector_load %arg7[%swap3A_755, %swap3A_756] {strides = array<i32>} : memref<3328x32xf32, #tpu.memory_space<vmem>>, vector<1x16xf32>,
      %swap3A_758 = vector.shape_cast %swap3A_757 : vector<1x16xf32> to vector<16xf32>
      %swap3A_759 = vector.shape_cast %get3A_537 : vector<16xf32> to vector<1x16xf32>
      tpu.vector_store %arg7[%swap3A_755, %swap3A_756], %swap3A_759 {add = true, strides = array<i32>} : memref<3328x32xf32, #tpu.memory_space<vmem>>, vector<1x16xf32>,
      %add3A_760 = arith.constant 15 : i32
      %add3A_761 = arith.addi %mul3A_543, %add3A_760 : i32
      %swap3A_762 = arith.index_cast %add3A_761 : i32 to index
      %swap3A_763 = arith.constant 16 : index
      %swap3A_764 = tpu.vector_load %arg7[%swap3A_762, %swap3A_763] {strides = array<i32>} : memref<3328x32xf32, #tpu.memory_space<vmem>>, vector<1x16xf32>,
      %swap3A_765 = vector.shape_cast %swap3A_764 : vector<1x16xf32> to vector<16xf32>
      %swap3A_766 = vector.shape_cast %get3A_541 : vector<16xf32> to vector<1x16xf32>
      tpu.vector_store %arg7[%swap3A_762, %swap3A_763], %swap3A_766 {add = true, strides = array<i32>} : memref<3328x32xf32, #tpu.memory_space<vmem>>, vector<1x16xf32>,
      %add3A_767 = arith.constant 16 : i32
      %add3A_768 = arith.addi %mul3A_543, %add3A_767 : i32
      %swap3A_769 = arith.index_cast %add3A_768 : i32 to index
      %swap3A_770 = arith.constant 0 : index
      %swap3A_771 = tpu.vector_load %arg7[%swap3A_769, %swap3A_770] {strides = array<i32>} : memref<3328x32xf32, #tpu.memory_space<vmem>>, vector<1x16xf32>,
      %swap3A_772 = vector.shape_cast %swap3A_771 : vector<1x16xf32> to vector<16xf32>
      %swap3A_773 = vector.shape_cast %get3A_537 : vector<16xf32> to vector<1x16xf32>
      tpu.vector_store %arg7[%swap3A_769, %swap3A_770], %swap3A_773 {add = true, strides = array<i32>} : memref<3328x32xf32, #tpu.memory_space<vmem>>, vector<1x16xf32>,
      %add3A_774 = arith.constant 16 : i32
      %add3A_775 = arith.addi %mul3A_543, %add3A_774 : i32
      %swap3A_776 = arith.index_cast %add3A_775 : i32 to index
      %swap3A_777 = arith.constant 16 : index
      %swap3A_778 = tpu.vector_load %arg7[%swap3A_776, %swap3A_777] {strides = array<i32>} : memref<3328x32xf32, #tpu.memory_space<vmem>>, vector<1x16xf32>,
      %swap3A_779 = vector.shape_cast %swap3A_778 : vector<1x16xf32> to vector<16xf32>
      %swap3A_780 = vector.shape_cast %get3A_541 : vector<16xf32> to vector<1x16xf32>
      tpu.vector_store %arg7[%swap3A_776, %swap3A_777], %swap3A_780 {add = true, strides = array<i32>} : memref<3328x32xf32, #tpu.memory_space<vmem>>, vector<1x16xf32>,
      %add3A_781 = arith.constant 17 : i32
      %add3A_782 = arith.addi %mul3A_543, %add3A_781 : i32
      %swap3A_783 = arith.index_cast %add3A_782 : i32 to index
      %swap3A_784 = arith.constant 0 : index
      %swap3A_785 = tpu.vector_load %arg7[%swap3A_783, %swap3A_784] {strides = array<i32>} : memref<3328x32xf32, #tpu.memory_space<vmem>>, vector<1x16xf32>,
      %swap3A_786 = vector.shape_cast %swap3A_785 : vector<1x16xf32> to vector<16xf32>
      %swap3A_787 = vector.shape_cast %get3A_537 : vector<16xf32> to vector<1x16xf32>
      tpu.vector_store %arg7[%swap3A_783, %swap3A_784], %swap3A_787 {add = true, strides = array<i32>} : memref<3328x32xf32, #tpu.memory_space<vmem>>, vector<1x16xf32>,
      %add3A_788 = arith.constant 17 : i32
      %add3A_789 = arith.addi %mul3A_543, %add3A_788 : i32
      %swap3A_790 = arith.index_cast %add3A_789 : i32 to index
      %swap3A_791 = arith.constant 16 : index
      %swap3A_792 = tpu.vector_load %arg7[%swap3A_790, %swap3A_791] {strides = array<i32>} : memref<3328x32xf32, #tpu.memory_space<vmem>>, vector<1x16xf32>,
      %swap3A_793 = vector.shape_cast %swap3A_792 : vector<1x16xf32> to vector<16xf32>
      %swap3A_794 = vector.shape_cast %get3A_541 : vector<16xf32> to vector<1x16xf32>
      tpu.vector_store %arg7[%swap3A_790, %swap3A_791], %swap3A_794 {add = true, strides = array<i32>} : memref<3328x32xf32, #tpu.memory_space<vmem>>, vector<1x16xf32>,
      %add3A_795 = arith.constant 18 : i32
      %add3A_796 = arith.addi %mul3A_543, %add3A_795 : i32
      %swap3A_797 = arith.index_cast %add3A_796 : i32 to index
      %swap3A_798 = arith.constant 0 : index
      %swap3A_799 = tpu.vector_load %arg7[%swap3A_797, %swap3A_798] {strides = array<i32>} : memref<3328x32xf32, #tpu.memory_space<vmem>>, vector<1x16xf32>,
      %swap3A_800 = vector.shape_cast %swap3A_799 : vector<1x16xf32> to vector<16xf32>
      %swap3A_801 = vector.shape_cast %get3A_537 : vector<16xf32> to vector<1x16xf32>
      tpu.vector_store %arg7[%swap3A_797, %swap3A_798], %swap3A_801 {add = true, strides = array<i32>} : memref<3328x32xf32, #tpu.memory_space<vmem>>, vector<1x16xf32>,
      %add3A_802 = arith.constant 18 : i32
      %add3A_803 = arith.addi %mul3A_543, %add3A_802 : i32
      %swap3A_804 = arith.index_cast %add3A_803 : i32 to index
      %swap3A_805 = arith.constant 16 : index
      %swap3A_806 = tpu.vector_load %arg7[%swap3A_804, %swap3A_805] {strides = array<i32>} : memref<3328x32xf32, #tpu.memory_space<vmem>>, vector<1x16xf32>,
      %swap3A_807 = vector.shape_cast %swap3A_806 : vector<1x16xf32> to vector<16xf32>
      %swap3A_808 = vector.shape_cast %get3A_541 : vector<16xf32> to vector<1x16xf32>
      tpu.vector_store %arg7[%swap3A_804, %swap3A_805], %swap3A_808 {add = true, strides = array<i32>} : memref<3328x32xf32, #tpu.memory_space<vmem>>, vector<1x16xf32>,
      %add3A_809 = arith.constant 19 : i32
      %add3A_810 = arith.addi %mul3A_543, %add3A_809 : i32
      %swap3A_811 = arith.index_cast %add3A_810 : i32 to index
      %swap3A_812 = arith.constant 0 : index
      %swap3A_813 = tpu.vector_load %arg7[%swap3A_811, %swap3A_812] {strides = array<i32>} : memref<3328x32xf32, #tpu.memory_space<vmem>>, vector<1x16xf32>,
      %swap3A_814 = vector.shape_cast %swap3A_813 : vector<1x16xf32> to vector<16xf32>
      %swap3A_815 = vector.shape_cast %get3A_537 : vector<16xf32> to vector<1x16xf32>
      tpu.vector_store %arg7[%swap3A_811, %swap3A_812], %swap3A_815 {add = true, strides = array<i32>} : memref<3328x32xf32, #tpu.memory_space<vmem>>, vector<1x16xf32>,
      %add3A_816 = arith.constant 19 : i32
      %add3A_817 = arith.addi %mul3A_543, %add3A_816 : i32
      %swap3A_818 = arith.index_cast %add3A_817 : i32 to index
      %swap3A_819 = arith.constant 16 : index
      %swap3A_820 = tpu.vector_load %arg7[%swap3A_818, %swap3A_819] {strides = array<i32>} : memref<3328x32xf32, #tpu.memory_space<vmem>>, vector<1x16xf32>,
      %swap3A_821 = vector.shape_cast %swap3A_820 : vector<1x16xf32> to vector<16xf32>
      %swap3A_822 = vector.shape_cast %get3A_541 : vector<16xf32> to vector<1x16xf32>
      tpu.vector_store %arg7[%swap3A_818, %swap3A_819], %swap3A_822 {add = true, strides = array<i32>} : memref<3328x32xf32, #tpu.memory_space<vmem>>, vector<1x16xf32>,
      %add3A_823 = arith.constant 20 : i32
      %add3A_824 = arith.addi %mul3A_543, %add3A_823 : i32
      %swap3A_825 = arith.index_cast %add3A_824 : i32 to index
      %swap3A_826 = arith.constant 0 : index
      %swap3A_827 = tpu.vector_load %arg7[%swap3A_825, %swap3A_826] {strides = array<i32>} : memref<3328x32xf32, #tpu.memory_space<vmem>>, vector<1x16xf32>,
      %swap3A_828 = vector.shape_cast %swap3A_827 : vector<1x16xf32> to vector<16xf32>
      %swap3A_829 = vector.shape_cast %get3A_537 : vector<16xf32> to vector<1x16xf32>
      tpu.vector_store %arg7[%swap3A_825, %swap3A_826], %swap3A_829 {add = true, strides = array<i32>} : memref<3328x32xf32, #tpu.memory_space<vmem>>, vector<1x16xf32>,
      %add3A_830 = arith.constant 20 : i32
      %add3A_831 = arith.addi %mul3A_543, %add3A_830 : i32
      %swap3A_832 = arith.index_cast %add3A_831 : i32 to index
      %swap3A_833 = arith.constant 16 : index
      %swap3A_834 = tpu.vector_load %arg7[%swap3A_832, %swap3A_833] {strides = array<i32>} : memref<3328x32xf32, #tpu.memory_space<vmem>>, vector<1x16xf32>,
      %swap3A_835 = vector.shape_cast %swap3A_834 : vector<1x16xf32> to vector<16xf32>
      %swap3A_836 = vector.shape_cast %get3A_541 : vector<16xf32> to vector<1x16xf32>
      tpu.vector_store %arg7[%swap3A_832, %swap3A_833], %swap3A_836 {add = true, strides = array<i32>} : memref<3328x32xf32, #tpu.memory_space<vmem>>, vector<1x16xf32>,
      %add3A_837 = arith.constant 21 : i32
      %add3A_838 = arith.addi %mul3A_543, %add3A_837 : i32
      %swap3A_839 = arith.index_cast %add3A_838 : i32 to index
      %swap3A_840 = arith.constant 0 : index
      %swap3A_841 = tpu.vector_load %arg7[%swap3A_839, %swap3A_840] {strides = array<i32>} : memref<3328x32xf32, #tpu.memory_space<vmem>>, vector<1x16xf32>,
      %swap3A_842 = vector.shape_cast %swap3A_841 : vector<1x16xf32> to vector<16xf32>
      %swap3A_843 = vector.shape_cast %get3A_537 : vector<16xf32> to vector<1x16xf32>
      tpu.vector_store %arg7[%swap3A_839, %swap3A_840], %swap3A_843 {add = true, strides = array<i32>} : memref<3328x32xf32, #tpu.memory_space<vmem>>, vector<1x16xf32>,
      %add3A_844 = arith.constant 21 : i32
      %add3A_845 = arith.addi %mul3A_543, %add3A_844 : i32
      %swap3A_846 = arith.index_cast %add3A_845 : i32 to index
      %swap3A_847 = arith.constant 16 : index
      %swap3A_848 = tpu.vector_load %arg7[%swap3A_846, %swap3A_847] {strides = array<i32>} : memref<3328x32xf32, #tpu.memory_space<vmem>>, vector<1x16xf32>,
      %swap3A_849 = vector.shape_cast %swap3A_848 : vector<1x16xf32> to vector<16xf32>
      %swap3A_850 = vector.shape_cast %get3A_541 : vector<16xf32> to vector<1x16xf32>
      tpu.vector_store %arg7[%swap3A_846, %swap3A_847], %swap3A_850 {add = true, strides = array<i32>} : memref<3328x32xf32, #tpu.memory_space<vmem>>, vector<1x16xf32>,
      %add3A_851 = arith.constant 22 : i32
      %add3A_852 = arith.addi %mul3A_543, %add3A_851 : i32
      %swap3A_853 = arith.index_cast %add3A_852 : i32 to index
      %swap3A_854 = arith.constant 0 : index
      %swap3A_855 = tpu.vector_load %arg7[%swap3A_853, %swap3A_854] {strides = array<i32>} : memref<3328x32xf32, #tpu.memory_space<vmem>>, vector<1x16xf32>,
      %swap3A_856 = vector.shape_cast %swap3A_855 : vector<1x16xf32> to vector<16xf32>
      %swap3A_857 = vector.shape_cast %get3A_537 : vector<16xf32> to vector<1x16xf32>
      tpu.vector_store %arg7[%swap3A_853, %swap3A_854], %swap3A_857 {add = true, strides = array<i32>} : memref<3328x32xf32, #tpu.memory_space<vmem>>, vector<1x16xf32>,
      %add3A_858 = arith.constant 22 : i32
      %add3A_859 = arith.addi %mul3A_543, %add3A_858 : i32
      %swap3A_860 = arith.index_cast %add3A_859 : i32 to index
      %swap3A_861 = arith.constant 16 : index
      %swap3A_862 = tpu.vector_load %arg7[%swap3A_860, %swap3A_861] {strides = array<i32>} : memref<3328x32xf32, #tpu.memory_space<vmem>>, vector<1x16xf32>,
      %swap3A_863 = vector.shape_cast %swap3A_862 : vector<1x16xf32> to vector<16xf32>
      %swap3A_864 = vector.shape_cast %get3A_541 : vector<16xf32> to vector<1x16xf32>
      tpu.vector_store %arg7[%swap3A_860, %swap3A_861], %swap3A_864 {add = true, strides = array<i32>} : memref<3328x32xf32, #tpu.memory_space<vmem>>, vector<1x16xf32>,
      %add3A_865 = arith.constant 23 : i32
      %add3A_866 = arith.addi %mul3A_543, %add3A_865 : i32
      %swap3A_867 = arith.index_cast %add3A_866 : i32 to index
      %swap3A_868 = arith.constant 0 : index
      %swap3A_869 = tpu.vector_load %arg7[%swap3A_867, %swap3A_868] {strides = array<i32>} : memref<3328x32xf32, #tpu.memory_space<vmem>>, vector<1x16xf32>,
      %swap3A_870 = vector.shape_cast %swap3A_869 : vector<1x16xf32> to vector<16xf32>
      %swap3A_871 = vector.shape_cast %get3A_537 : vector<16xf32> to vector<1x16xf32>
      tpu.vector_store %arg7[%swap3A_867, %swap3A_868], %swap3A_871 {add = true, strides = array<i32>} : memref<3328x32xf32, #tpu.memory_space<vmem>>, vector<1x16xf32>,
      %add3A_872 = arith.constant 23 : i32
      %add3A_873 = arith.addi %mul3A_543, %add3A_872 : i32
      %swap3A_874 = arith.index_cast %add3A_873 : i32 to index
      %swap3A_875 = arith.constant 16 : index
      %swap3A_876 = tpu.vector_load %arg7[%swap3A_874, %swap3A_875] {strides = array<i32>} : memref<3328x32xf32, #tpu.memory_space<vmem>>, vector<1x16xf32>,
      %swap3A_877 = vector.shape_cast %swap3A_876 : vector<1x16xf32> to vector<16xf32>
      %swap3A_878 = vector.shape_cast %get3A_541 : vector<16xf32> to vector<1x16xf32>
      tpu.vector_store %arg7[%swap3A_874, %swap3A_875], %swap3A_878 {add = true, strides = array<i32>} : memref<3328x32xf32, #tpu.memory_space<vmem>>, vector<1x16xf32>,
      %add3A_879 = arith.constant 24 : i32
      %add3A_880 = arith.addi %mul3A_543, %add3A_879 : i32
      %swap3A_881 = arith.index_cast %add3A_880 : i32 to index
      %swap3A_882 = arith.constant 0 : index
      %swap3A_883 = tpu.vector_load %arg7[%swap3A_881, %swap3A_882] {strides = array<i32>} : memref<3328x32xf32, #tpu.memory_space<vmem>>, vector<1x16xf32>,
      %swap3A_884 = vector.shape_cast %swap3A_883 : vector<1x16xf32> to vector<16xf32>
      %swap3A_885 = vector.shape_cast %get3A_537 : vector<16xf32> to vector<1x16xf32>
      tpu.vector_store %arg7[%swap3A_881, %swap3A_882], %swap3A_885 {add = true, strides = array<i32>} : memref<3328x32xf32, #tpu.memory_space<vmem>>, vector<1x16xf32>,
      %add3A_886 = arith.constant 24 : i32
      %add3A_887 = arith.addi %mul3A_543, %add3A_886 : i32
      %swap3A_888 = arith.index_cast %add3A_887 : i32 to index
      %swap3A_889 = arith.constant 16 : index
      %swap3A_890 = tpu.vector_load %arg7[%swap3A_888, %swap3A_889] {strides = array<i32>} : memref<3328x32xf32, #tpu.memory_space<vmem>>, vector<1x16xf32>,
      %swap3A_891 = vector.shape_cast %swap3A_890 : vector<1x16xf32> to vector<16xf32>
      %swap3A_892 = vector.shape_cast %get3A_541 : vector<16xf32> to vector<1x16xf32>
      tpu.vector_store %arg7[%swap3A_888, %swap3A_889], %swap3A_892 {add = true, strides = array<i32>} : memref<3328x32xf32, #tpu.memory_space<vmem>>, vector<1x16xf32>,
      %add3A_893 = arith.constant 25 : i32
      %add3A_894 = arith.addi %mul3A_543, %add3A_893 : i32
      %swap3A_895 = arith.index_cast %add3A_894 : i32 to index
      %swap3A_896 = arith.constant 0 : index
      %swap3A_897 = tpu.vector_load %arg7[%swap3A_895, %swap3A_896] {strides = array<i32>} : memref<3328x32xf32, #tpu.memory_space<vmem>>, vector<1x16xf32>,
      %swap3A_898 = vector.shape_cast %swap3A_897 : vector<1x16xf32> to vector<16xf32>
      %swap3A_899 = vector.shape_cast %get3A_537 : vector<16xf32> to vector<1x16xf32>
      tpu.vector_store %arg7[%swap3A_895, %swap3A_896], %swap3A_899 {add = true, strides = array<i32>} : memref<3328x32xf32, #tpu.memory_space<vmem>>, vector<1x16xf32>,
      %add3A_900 = arith.constant 25 : i32
      %add3A_901 = arith.addi %mul3A_543, %add3A_900 : i32
      %swap3A_902 = arith.index_cast %add3A_901 : i32 to index
      %swap3A_903 = arith.constant 16 : index
      %swap3A_904 = tpu.vector_load %arg7[%swap3A_902, %swap3A_903] {strides = array<i32>} : memref<3328x32xf32, #tpu.memory_space<vmem>>, vector<1x16xf32>,
      %swap3A_905 = vector.shape_cast %swap3A_904 : vector<1x16xf32> to vector<16xf32>
      %swap3A_906 = vector.shape_cast %get3A_541 : vector<16xf32> to vector<1x16xf32>
      tpu.vector_store %arg7[%swap3A_902, %swap3A_903], %swap3A_906 {add = true, strides = array<i32>} : memref<3328x32xf32, #tpu.memory_space<vmem>>, vector<1x16xf32>,
    }
    %scan3A_531 = arith.constant 128 : i32
    %mul3A_532 = arith.constant 3328 : i32
    %mul3A_533 = arith.muli %add3A, %mul3A_532 : i32
    "tpu.region"() ({
      %run_scoped3A = tpu.sem_alloc : memref<!tpu.dma_semaphore, #tpu.memory_space<semaphore_mem>>
      %dma_start3A_534 = arith.constant 0 : i32
      %dma_start3A_535 = tpu.memref_slice %arg5[%mul3A_533, %dma_start3A_534] : memref<106496x32xf32, #tpu.memory_space<hbm>> -> memref<3328x32xf32, #tpu.memory_space<hbm>>
      %dma_start3A_536 = arith.constant 0 : i32
      %dma_start3A_537 = tpu.memref_slice %arg5[%mul3A_533, %dma_start3A_536] : memref<106496x32xf32, #tpu.memory_space<hbm>> -> memref<3328x32xf32, #tpu.memory_space<hbm>>
      tpu.enqueue_dma source(%arg7 : memref<3328x32xf32, #tpu.memory_space<vmem>>) target(%dma_start3A_537 : memref<3328x32xf32, #tpu.memory_space<hbm>>) target_semaphore(%run_scoped3A : memref<!tpu.dma_semaphore, #tpu.memory_space<semaphore_mem>>)
      %dma_wait3A_538 = arith.constant 0 : i32
      %dma_wait3A_539 = tpu.memref_slice %arg5[%mul3A_533, %dma_wait3A_538] : memref<106496x32xf32, #tpu.memory_space<hbm>> -> memref<3328x32xf32, #tpu.memory_space<hbm>>
      %dma_wait3A_540 = arith.constant 0 : i32
      %dma_wait3A_541 = tpu.memref_slice %arg5[%mul3A_533, %dma_wait3A_540] : memref<106496x32xf32, #tpu.memory_space<hbm>> -> memref<3328x32xf32, #tpu.memory_space<hbm>>
      tpu.wait_dma2 semaphore(%run_scoped3A : memref<!tpu.dma_semaphore, #tpu.memory_space<semaphore_mem>>) src(%arg7 : memref<3328x32xf32, #tpu.memory_space<vmem>>) dst(%dma_wait3A_541 : memref<3328x32xf32, #tpu.memory_space<hbm>>)
      tpu.yield
    }) : () -> ()
    return
  }
}

</mosaic_0001>

<sc_bundles>
// kernel: kernel.3.cloned.1.call-start
scs
__scs_entry_jumppad:
0x0: {  	(pc) =	sbr.rel $0x88, $3  }
0x1: {  	(tag) =	ssettag $0x0;
	lr =	simm.s32 $0x1  }
0x2: {  	[smem:$0x3F9F] =	sst lr;
	_ =	strace $0xD0000000  }
0x3: {  	_ = 	snop  }
0x4: {  	_ = 	snop  }
0x5: {  	_ = 	snop  }
0x6: {  	_ = 	snop  }
0x7: {  	_ = 	snop  }
__scs_overlays_trampoline_lowered:
0x8: {  	[smem:$0x3FAE] =	sst s0  }
0x9: {  	[smem:$0x3FAF] =	sst s1  }
0xa: {  	[smem:$0x3FB0] =	sst s2  }
0xb: {  	[smem:$0x3FB1] =	sst s3  }
0xc: {  	[smem:$0x3FB2] =	sst s4  }
0xd: {  	[smem:$0x3FB3] =	sst s5  }
0xe: {  	[smem:$0x3FB4] =	sst s6  }
0xf: {  	[smem:$0x3FB5] =	sst s7  }
0x10: {  	[smem:$0x3FB6] =	sst s8  }
0x11: {  	[smem:$0x3FB7] =	sst s9;
	s0 =	simm.s32 @!p0 $0x0  }
0x12: {  	s1 =	sld [smem:$0x3F9D];
	s0 =	simm.s32 @p0 $0x1  }
0x13: {  	[smem:$0x3FB8] =	sst s0;
	s0 =	simm.s32 @!p1 $0x0  }
0x14: {  	s2 =	sld [smem:$0x3F9C];
	s0 =	simm.s32 @p1 $0x1  }
0x15: {  	[smem:$0x3FB9] =	sst s0;
	s0 =	simm.s32 @!p2 $0x0  }
0x16: {  	s3 =	sld [smem:$0x3FDB];
	s0 =	simm.s32 @p2 $0x1  }
0x17: {  	s4 =	simm.s32 $0x1BF5;
	[smem:$0x3FBB] =	sst s0  }
0x18: {  	s0 =	sld [smem:$0x3F9E];
	_ =	swait.ge [sflag:s4], $0x0  }
0x19: {  	s7 =	sld [smem:$0x3F9F]  }
0x1a: {  	s8 =	sadd.s32 $0xFFFFE003, lr  }
0x1b: {  	s9 =	sadd.s32 $0xFFFFFEF7, lr;
	s5 =	simm.s32 $0xFFFFFFFF;
	p2 =	slt.u32 s8, $0xFFFFF086  }
0x1c: {  	p1 =	slt.u32 s9, $0xF7A;
	s5 =	simm.s32 @!p2 $0x0  }
0x1d: {  	s5 =	simm.s32 @p1 $0x1;
	p0 =	seq.s32 s7, s2  }
0x1e: {  	s7 =	smul.u32 @!p0 $0xF7A, s2;
	p2 =	seq.s32 @!p0 s5, $0x0  }
0x1f: {  	s9 =	smul.u32 $0xF7A, s1;
	s8 =	simm.s32 @!p0 $0x1BF5;
	p2 =	por !p2, p0  }
0x20: {  	[sflag:s8] =	ssyncset.s32 @!p0 $0xFFFFF086;
	s6 =	sadd.s32 @!p0 s3, s7;
	s7 =	simm.s32 @!p0 $0x108  }
0x21: {  	s3 =	sadd.s32 s3, s9;
	s6 =	sadd.s32 @!p0 $0x88, s6;
	s7 =	simm.s32 @p2 $0x1082  }
0x22: {  	[simem:s7], [sflag:s8] =	dma.local @!p0 [hbm:s6], $0xF7A  }
0x23: {  	s9 =	sor.u32 $0xD0000000, s2;
	s6 =	simm.s32 $0x108;
	_ =	swait.ge @!p0 [sflag:s8], $0x0  }
0x24: {  	s3 =	sadd.s32 $0x88, s3;
	s6 =	simm.s32 @!p1 $0x1082;
	[sflag:s4] =	ssyncset.s32 $0xFFFFF086  }
0x25: {  	[simem:s6], [sflag:s4] =	dma.local [hbm:s3], $0xF7A  }
0x26: {  	[smem:$0x3F9F] =	sst s1;
	(tag) =	ssettag s2;
	_ =	strace s9  }
0x27: {  	s1 =	sld [smem:$0x3FAF]  }
0x28: {  	s2 =	sld [smem:$0x3FB0]  }
0x29: {  	s4 =	sld [smem:$0x3FB2]  }
0x2a: {  	p0 =	seq.s32 s5, $0x0;
	s5 =	sld [smem:$0x3FB3]  }
0x2b: {  	s6 =	sld [smem:$0x3FB4]  }
0x2c: {  	s7 =	sld [smem:$0x3FB5]  }
0x2d: {  	s3 =	simm.s32 $0x108;
	s8 =	sld [smem:$0x3FB6]  }
0x2e: {  	s3 =	simm.s32 @!p0 $0x1082;
	s9 =	sld [smem:$0x3FB7]  }
0x2f: {  	lr =	sadd.s32 s0, s3;
	s0 =	sld [smem:$0x3FAE]  }
0x30: {  	s3 =	sld [smem:$0x3FB1]  }
0x31: {  	[smem:$0x3FBA] =	sst s10  }
0x32: {  	s10 =	sld [smem:$0x3FB8];
	_ =	sdelay $0x3  }
0x33: {  	p0 =	seq.s32 s10, $0x1;
	s10 =	sld [smem:$0x3FBA];
	_ =	sdelay $0x3  }
0x34: {  	[smem:$0x3FBA] =	sst s10  }
0x35: {  	s10 =	sld [smem:$0x3FB9];
	_ =	sdelay $0x3  }
0x36: {  	p1 =	seq.s32 s10, $0x1;
	s10 =	sld [smem:$0x3FBA];
	_ =	sdelay $0x3  }
0x37: {  	[smem:$0x3FBA] =	sst s10  }
0x38: {  	s10 =	sld [smem:$0x3FBB]  }
0x39: {  	_ = 	snop;
	(pc) =	sbr.ind lr, $3  }
0x3a: {  	_ = 	snop  }
0x3b: {  	_ = 	snop  }
0x3c: {  	p2 =	seq.s32 s10, $0x1;
	s10 =	sld [smem:$0x3FBA]  }
0x3d: {  	_ =	shalt  }
0x3e: {  	_ =	shalt  }
0x3f: {  	_ =	shalt  }
0x40: {  	_ =	shalt  }
0x41: {  	_ =	shalt  }
0x42: {  	_ =	shalt  }
0x43: {  	_ =	shalt  }
0x44: {  	_ =	shalt  }
0x45: {  	_ =	shalt  }
0x46: {  	_ =	shalt  }
0x47: {  	_ =	shalt  }
0x48: {  	_ =	shalt  }
0x49: {  	_ =	shalt  }
0x4a: {  	_ =	shalt  }
0x4b: {  	_ =	shalt  }
0x4c: {  	_ =	shalt  }
0x4d: {  	_ =	shalt  }
0x4e: {  	_ =	shalt  }
0x4f: {  	_ =	shalt  }
0x50: {  	_ =	shalt  }
0x51: {  	_ =	shalt  }
0x52: {  	_ =	shalt  }
0x53: {  	_ =	shalt  }
0x54: {  	_ =	shalt  }
0x55: {  	_ =	shalt  }
0x56: {  	_ =	shalt  }
0x57: {  	_ =	shalt  }
0x58: {  	_ =	shalt  }
0x59: {  	_ =	shalt  }
0x5a: {  	_ =	shalt  }
0x5b: {  	_ =	shalt  }
0x5c: {  	_ =	shalt  }
0x5d: {  	_ =	shalt  }
0x5e: {  	_ =	shalt  }
0x5f: {  	_ =	shalt  }
0x60: {  	_ =	shalt  }
0x61: {  	_ =	shalt  }
0x62: {  	_ =	shalt  }
0x63: {  	_ =	shalt  }
0x64: {  	_ =	shalt  }
0x65: {  	_ =	shalt  }
0x66: {  	_ =	shalt  }
0x67: {  	_ =	shalt  }
0x68: {  	_ =	shalt  }
0x69: {  	_ =	shalt  }
0x6a: {  	_ =	shalt  }
0x6b: {  	_ =	shalt  }
0x6c: {  	_ =	shalt  }
0x6d: {  	_ =	shalt  }
0x6e: {  	_ =	shalt  }
0x6f: {  	_ =	shalt  }
0x70: {  	_ =	shalt  }
0x71: {  	_ =	shalt  }
0x72: {  	_ =	shalt  }
0x73: {  	_ =	shalt  }
0x74: {  	_ =	shalt  }
0x75: {  	_ =	shalt  }
0x76: {  	_ =	shalt  }
0x77: {  	_ =	shalt  }
0x78: {  	_ =	shalt  }
0x79: {  	_ =	shalt  }
0x7a: {  	_ =	shalt  }
0x7b: {  	_ =	shalt  }
0x7c: {  	_ =	shalt  }
0x7d: {  	_ =	shalt  }
0x7e: {  	_ =	shalt  }
0x7f: {  	_ =	shalt  }
0x80: {  	_ =	shalt  }
0x81: {  	_ =	shalt  }
0x82: {  	_ =	shalt  }
0x83: {  	_ =	shalt  }
0x84: {  	_ =	shalt  }
0x85: {  	_ =	shalt  }
0x86: {  	_ =	shalt  }
0x87: {  	_ =	shalt  }
.Lfunc_end0:
.L_simem_size_0:
called_computation_lowered:
.L_overlay_start_0:
0x88: {  	s2 =	sld [smem:$0x3FD9]  }
0x89: {  	s3 =	sld [smem:$0x3FFE];
	_ =	sdelay $0x1  }
0x8a: {  	s1 =	srdreg.scid  }
0x8b: {  	s0 =	sand.u32 $0x1, s1  }
0x8c: {  	s17 =	sshll.u32 s0, $0xA;
	s2 =	sadd.s32 s3, s2  }
0x8d: {  	s2 =	sadd.s32 s2, s17  }
0x8e: {  	[smem:$0x3FC6] =	sst s2  }
0x8f: {  	_ = 	snop  }
0x90: {  	s2 =	sld [smem:$0x3FD0];
	(tm) =	ssettm $0x1  }
0x91: {  	s18 =	sld [smem:$0x3FFB];
	_ =	sdelay $0x3  }
0x92: {  	_ =	strace s18  }
0x93: {  	s3 =	sld [smem:$0x3FFC];
	_ =	sdelay $0x3  }
0x94: {  	_ =	strace s3  }
0x95: {  	s3 =	sld [smem:$0x3FFD];
	_ =	sdelay $0x3  }
0x96: {  	_ =	strace s3  }
0x97: {  	_ =	strace $0x8FFFFFFF  }
0x98: {  	s19 =	sld [smem:$0x3FDB];
	_ =	sdelay $0x1  }
0x99: {  	s4 =	simm.s32 $_scs_section_size  }
0x9a: {  	s5 =	simm.s32 $_size__tile_overlayer_lowered;
	s6 =	simm.s32 $_tile_overlayer_lowered  }
0x9b: {  	s22 =	simm.s32 $0x1BFF;
	s21 =	sshll.u32 s6, $0x1;
	s3 =	sadd.s32 s4, s19  }
0x9c: {  	s7 =	simm.s32 $0x0;
	s20 =	sshll.u32 s5, $0x1;
	s5 =	sadd.s32 s21, s3  }
0x9d: {  	[timem:s7], [sflag:s22] =	dma.local [hbm:s5], s20  }
0x9e: {  	_ =	swait.ge [sflag:s22], s20  }
0x9f: {  	s4 =	ssub.s32 $0x0, s20;
	[sflag:s22] =	ssyncset.done $0x0  }
0xa0: {  	[sflag:s22] =	ssyncadd.s32 s4;
	_ =	sdelay $0x1  }
0xa1: {  	s23 =	simm.s32 $0x1B8B  }
0xa2: {  	_ =	swait.ge [sflag:s23], $0x1  }
0xa3: {  	[sflag:s23] =	ssyncset.done $0x0  }
0xa4: {  	s25 =	simm.s32 $0x1B8E;
	s24 =	sld [smem:$0x3FFE];
	[sflag:s23] =	ssyncadd.s32 $0xFFFFFFFF  }
0xa5: {  	s26 =	simm.s32 $execute0_lowered;
	[smem:$0x3FD2] =	sst s25  }
0xa6: {  	s5 =	sshll.u32 s26, $0x1;
	_ =	strace $0x80000046;
	[dreg:$0x1] =	wrdreg $0xFFFFFFFF  }
0xa7: {  	s28 =	simm.s32 $_size_execute0_lowered;
	s3 =	sadd.s32 s3, s5;
	[dreg:$0x0] =	wrdreg $0x0  }
0xa8: {  	s5 =	sshll.u32 s28, $0x1;
	[dreg:$0x2] =	wrdreg s3  }
0xa9: {  	[dreg:$0x3] =	wrdreg s5  }
0xaa: {  	[dreg:$0x4] =	wrdreg $0xC0  }
0xab: {  	_ =	task [dreg:s7], $0x5FFFF  }
0xac: {  	[dreg:$0x1] =	wrdreg $0xFFFFFFFF  }
0xad: {  	[dreg:$0x0] =	wrdreg $0x60  }
0xae: {  	[dreg:$0x2] =	wrdreg s24  }
0xaf: {  	[dreg:$0x3] =	wrdreg s2  }
0xb0: {  	[dreg:$0x4] =	wrdreg $0x9  }
0xb1: {  	_ =	task.clear_ibuf [dreg:s7], $0x5FFFF;
	_ =	strace $0x90000046  }
0xb2: {  	s29 =	simm.s32 $0x9;
	_ =	strace $0x80000048  }
0xb3: {  	_ =	swait.ge [sflag:s29], $0x1  }
0xb4: {  	[sflag:s29] =	ssyncadd.s32 $0xFFFFFFFF  }
0xb5: {  	_ =	strace $0x90000048  }
0xb6: {  	_ =	sfence  }
0xb7: {  	s30 =	sld [smem:$0x0];
	_ =	sdelay $0x2  }
0xb8: {  	s31 =	sshll.u32 s1, $0xD;
	s1 =	sshrl.u32 s1, $0x2  }
0xb9: {  	s3 =	sand.u32 $0x4000, s31;
	s1 =	sadd.s32 s1, s30  }
0xba: {  	s0 =	sor.u32 s3, s0;
	s1 =	sshll.u32 s1, $0x11  }
0xbb: {  	s0 =	sor.u32 s1, s0  }
0xbc: {  	s0 =	sadd.s32 $0x8F2B, s0  }
0xbd: {  	[sflag:s0] =	ssyncadd.remote.s32 $0x1  }
0xbe: {  	_ =	sfence.sel $0xFFFF  }
0xbf: {  	[dreg:$0x0] =	wrdreg $0xFFFFFFFF;
	(pc) =	sbr.abs _section_cstart, $3  }
0xc0: {  	[dreg:$0x1] =	wrdreg $0xFFFFFFFF  }
0xc1: {  	_ =	task.clear_ibuf [dreg:s7], $0x2FFFF;
	_ =	strace $0x9FFFFFFF  }
0xc2: {  	(tm) =	ssettm $0x7FFFFFFF  }
0xc3: {  	_ =	shalt  }
tec
execute0_lowered:
.L_overlay_start_1:
0x0: {  	(tag) =	ssettag $0x1  }
0x1: {  	s0 =	srdreg.scid  }
0x2: {  	s2 =	stileid.u32;
	s1 =	rddreg [dreg:$0x0]  }
0x3: {  	s6 =	rddreg [dreg:$0x1];
	s10 =	simm.s32 $0x80;
	s11 =	simm.s32 $0xD00  }
0x4: {  	s25 =	simm.s32 $0x980;
	s28 =	simm.s32 $0xA00;
	s29 =	simm.s32 $0x14D00  }
0x5: {  	s30 =	simm.s32 $0xA80;
	s31 =	simm.s32 $0x15D00;
	s9 =	simm.s32 $0xB80  }
0x6: {  	s12 =	simm.s32 $0x17D00;
	s13 =	simm.s32 $0xC00;
	s14 =	simm.s32 $0x18D00  }
0x7: {  	s15 =	simm.s32 $0xC80;
	s16 =	simm.s32 $0x19D00;
	s17 =	simm.s32 $0x1  }
0x8: {  	s18 =	simm.s32 $0x0;
	s0 =	sand.u32 $0x1, s0;
	s2 =	sshll.u32 s2, $0x1  }
0x9: {  	s4 =	sor.u32 s0, s2;
	s2 =	simm.s32 $0x0;
	s0 =	ssub.s32 $0x2, s0  }
0xa: {  	s3 =	smul.u32 $0x1A0, s4;
	[smem:$0x7FF] =	sst s2;
	s7 =	sshll.u32 s4, $0x9  }
0xb: {  	s26 =	sshrl.u32 s0, $0x1;
	s8 =	smul.u32 $0x3400, s4;
	_ =	strace $0x80000047  }
0xc: {  	s0 =	ssub.s32 s0, s26;
	s26 =	simm.s32 $0x13D00;
	s5 =	sadd.s32 s3, s1  }
0xd: {  	s3 =	sadd.s32 $0x27ACC00, s1;
	s1 =	sadd.s32 s7, s1;
	s6 =	sadd.s32 s6, s8  }
0xe: {  	s7 =	smax.u32 s0, $0x1;
	s8 =	simm.s32 $0x2;
	s0 =	simm.s32 $0x16D00  }
0xf: {  	v0 =	vlaneseq.u32;
	s4 =	sadd.s32 $0x800, s5;
	s5 =	sadd.s32 $0x3C00, s1;
	s1 =	simm.s32 $0xB00  }
.LBB2_1:
0x10: {  	[tilespmem:s2], [sflag:$0x2] =	stream.linear.gather [hbm4b:s4+s2], $0xD00, $0x38;
	[tilespmem:$0x1BD00] =	vst v63  }
0x11: {  	_ =	swait.ge [sflag:s8], $0xD00  }
0x12: {  	v1 =	vor.u32 s2, v0;
	[sflag:s8] =	ssyncset.done $0x0  }
0x13: {  	s19 =	simm.s32 $0x1AD00;
	v2 =	vmulhi.u32 $0x4EC4EC4F, v1;
	[sflag:s8] =	ssyncadd.s32 $0xFFFFF300  }
0x14: {  	[tilespmem:s19], [sflag:$0x2] =	stream.linear.gather [hbm4b:s5+s2], $0x1000, $0x38;
	[tilespmem:$0x1BD00] =	vst v63  }
0x15: {  	s24 =	sand.u32 $0x3E00, s2;
	v2 =	vshrl.u32 v2, $0x3;
	_ =	swait.ge [sflag:s8], $0x1000  }
0x16: {  	s20 =	sand.u32 $0x70, s2;
	v2 =	vmul.u32 $0x1A, v2;
	s19 =	sshrl.u32 s24, $0x2;
	[sflag:s8] =	ssyncset.done $0x0  }
0x17: {  	s19 =	sor.u32 s20, s19;
	[sflag:s8] =	ssyncadd.s32 $0xFFFFF000  }
0x18: {  	v3 =	vsub.s32 v1, v2;
	v2 =	vld [tilespmem:s19+$0x0];
	_ =	sdelay $0x1  }
0x19: {  	s20 =	simm.s32 $0x10  }
0x1a: {  	s21 =	simm.s32 $0x40;
	s22 =	simm.s32 $0x80;
	v1 =	vor.u32 s20, v0;
	v3 =	vmul.u32 $0x186A0, v3  }
.LBB2_2:
0x1b: {  	p0 =	sne.s32 s22, $0x33C0;
	v4 =	vmulhi.u32 $0x4EC4EC4F, v1;
	s23 =	sand.u32 $0x3E00, s21;
	s21 =	smov.u32 s22  }
0x1c: {  	s24 =	sand.u32 $0x70, s20;
	s23 =	sshrl.u32 s23, $0x2;
	v2 =	vadd.s32 v3, v2  }
.Ltmp0:
0x1d: {  	v3 =	vshrl.u32 v4, $0x3;
	[tilespmem:s19+$0x0] =	vst v2;
	s19 =	sor.u32 s24, s23;
	(pc) =	sbr.rel @p0 .LBB2_2-.Ltmp0, $3  }
0x1e: {  	v3 =	vmul.u32 $0x1A, v3;
	v2 =	vld [tilespmem:s19+$0x0];
	_ =	sdelay $0x1  }
0x1f: {  	s20 =	sadd.s32 $0x10, s20;
	v3 =	vsub.s32 v1, v3  }
0x20: {  	s22 =	sadd.s32 $0x40, s22;
	v1 =	vor.u32 s20, v0;
	v3 =	vmul.u32 $0x186A0, v3  }
0x21: {  	v4 =	vmulhi.u32 $0x4EC4EC4F, v1;
	s21 =	sand.u32 $0x3E00, s21  }
0x22: {  	s20 =	sand.u32 $0x70, s20;
	s21 =	sshrl.u32 s21, $0x2;
	v2 =	vadd.s32 v3, v2  }
0x23: {  	v3 =	vshrl.u32 v4, $0x3;
	s20 =	sor.u32 s20, s21;
	[tilespmem:s19+$0x0] =	vst v2  }
0x24: {  	v2 =	vmul.u32 $0x1A, v3;
	v3 =	vld [tilespmem:s20+$0x0];
	_ =	sdelay $0x1  }
0x25: {  	v1 =	vsub.s32 v1, v2  }
0x26: {  	v1 =	vmul.u32 $0x186A0, v1;
	_ =	sdelay $0x1  }
0x27: {  	v1 =	vadd.s32 v1, v3  }
0x28: {  	s19 =	simm.s32 $0x0;
	[tilespmem:s20+$0x0] =	vst v1  }
0x29: {  	[tilespmem:s11], [sflag:$0x1] =	stream.indirect.gather [hbm4b:s3+s10], $0x20, s19, s10, $0xb8;
	[tilespmem:$0x1BD00] =	vst v63  }
0x2a: {  	s22 =	simm.s32 $0x1D00  }
0x2b: {  	[tilespmem:s22], [sflag:$0x1] =	stream.indirect.gather [hbm4b:s3+s10], $0x20, s10, s10, $0xb8;
	[tilespmem:$0x1BD00] =	vst v63  }
0x2c: {  	s23 =	simm.s32 $0x100;
	s24 =	simm.s32 $0x2D00  }
0x2d: {  	[tilespmem:s24], [sflag:$0x1] =	stream.indirect.gather [hbm4b:s3+s10], $0x20, s23, s10, $0xb8;
	[tilespmem:$0x1BD00] =	vst v63  }
0x2e: {  	s21 =	simm.s32 $0x180;
	s22 =	simm.s32 $0x3D00  }
0x2f: {  	[tilespmem:s22], [sflag:$0x1] =	stream.indirect.gather [hbm4b:s3+s10], $0x20, s21, s10, $0xb8;
	[tilespmem:$0x1BD00] =	vst v63  }
0x30: {  	s23 =	simm.s32 $0x200;
	s24 =	simm.s32 $0x4D00  }
0x31: {  	[tilespmem:s24], [sflag:$0x1] =	stream.indirect.gather [hbm4b:s3+s10], $0x20, s23, s10, $0xb8;
	[tilespmem:$0x1BD00] =	vst v63  }
0x32: {  	s21 =	simm.s32 $0x280;
	s22 =	simm.s32 $0x5D00  }
0x33: {  	[tilespmem:s22], [sflag:$0x1] =	stream.indirect.gather [hbm4b:s3+s10], $0x20, s21, s10, $0xb8;
	[tilespmem:$0x1BD00] =	vst v63  }
0x34: {  	s23 =	simm.s32 $0x300;
	s24 =	simm.s32 $0x6D00  }
0x35: {  	[tilespmem:s24], [sflag:$0x1] =	stream.indirect.gather [hbm4b:s3+s10], $0x20, s23, s10, $0xb8;
	[tilespmem:$0x1BD00] =	vst v63  }
0x36: {  	s21 =	simm.s32 $0x380;
	s22 =	simm.s32 $0x7D00  }
0x37: {  	[tilespmem:s22], [sflag:$0x1] =	stream.indirect.gather [hbm4b:s3+s10], $0x20, s21, s10, $0xb8;
	[tilespmem:$0x1BD00] =	vst v63  }
0x38: {  	s23 =	simm.s32 $0x400;
	s24 =	simm.s32 $0x8D00  }
0x39: {  	[tilespmem:s24], [sflag:$0x1] =	stream.indirect.gather [hbm4b:s3+s10], $0x20, s23, s10, $0xb8;
	[tilespmem:$0x1BD00] =	vst v63  }
0x3a: {  	s21 =	simm.s32 $0x480;
	s22 =	simm.s32 $0x9D00  }
0x3b: {  	[tilespmem:s22], [sflag:$0x1] =	stream.indirect.gather [hbm4b:s3+s10], $0x20, s21, s10, $0xb8;
	[tilespmem:$0x1BD00] =	vst v63  }
0x3c: {  	s23 =	simm.s32 $0x500;
	s24 =	simm.s32 $0xAD00  }
0x3d: {  	[tilespmem:s24], [sflag:$0x1] =	stream.indirect.gather [hbm4b:s3+s10], $0x20, s23, s10, $0xb8;
	[tilespmem:$0x1BD00] =	vst v63  }
0x3e: {  	s21 =	simm.s32 $0x580;
	s22 =	simm.s32 $0xBD00  }
0x3f: {  	[tilespmem:s22], [sflag:$0x1] =	stream.indirect.gather [hbm4b:s3+s10], $0x20, s21, s10, $0xb8;
	[tilespmem:$0x1BD00] =	vst v63  }
0x40: {  	s23 =	simm.s32 $0x600;
	s24 =	simm.s32 $0xCD00  }
0x41: {  	[tilespmem:s24], [sflag:$0x1] =	stream.indirect.gather [hbm4b:s3+s10], $0x20, s23, s10, $0xb8;
	[tilespmem:$0x1BD00] =	vst v63  }
0x42: {  	s21 =	simm.s32 $0x680;
	s22 =	simm.s32 $0xDD00  }
0x43: {  	[tilespmem:s22], [sflag:$0x1] =	stream.indirect.gather [hbm4b:s3+s10], $0x20, s21, s10, $0xb8;
	[tilespmem:$0x1BD00] =	vst v63  }
0x44: {  	s23 =	simm.s32 $0x700;
	s24 =	simm.s32 $0xED00  }
0x45: {  	[tilespmem:s24], [sflag:$0x1] =	stream.indirect.gather [hbm4b:s3+s10], $0x20, s23, s10, $0xb8;
	[tilespmem:$0x1BD00] =	vst v63  }
0x46: {  	s21 =	simm.s32 $0x780;
	s22 =	simm.s32 $0xFD00  }
0x47: {  	[tilespmem:s22], [sflag:$0x1] =	stream.indirect.gather [hbm4b:s3+s10], $0x20, s21, s10, $0xb8;
	[tilespmem:$0x1BD00] =	vst v63  }
0x48: {  	s23 =	simm.s32 $0x800;
	s24 =	simm.s32 $0x10D00  }
0x49: {  	[tilespmem:s24], [sflag:$0x1] =	stream.indirect.gather [hbm4b:s3+s10], $0x20, s23, s10, $0xb8;
	[tilespmem:$0x1BD00] =	vst v63  }
0x4a: {  	s21 =	simm.s32 $0x880;
	s22 =	simm.s32 $0x11D00  }
0x4b: {  	[tilespmem:s22], [sflag:$0x1] =	stream.indirect.gather [hbm4b:s3+s10], $0x20, s21, s10, $0xb8;
	[tilespmem:$0x1BD00] =	vst v63  }
0x4c: {  	s23 =	simm.s32 $0x900;
	s24 =	simm.s32 $0x12D00  }
0x4d: {  	[tilespmem:s24], [sflag:$0x1] =	stream.indirect.gather [hbm4b:s3+s10], $0x20, s23, s10, $0xb8;
	[tilespmem:$0x1BD00] =	vst v63  }
0x4e: {  	_ = 	snop  }
0x4f: {  	[tilespmem:s26], [sflag:$0x1] =	stream.indirect.gather [hbm4b:s3+s10], $0x20, s25, s10, $0xb8;
	[tilespmem:$0x1BD00] =	vst v63  }
0x50: {  	_ = 	snop  }
0x51: {  	[tilespmem:s29], [sflag:$0x1] =	stream.indirect.gather [hbm4b:s3+s10], $0x20, s28, s10, $0xb8;
	[tilespmem:$0x1BD00] =	vst v63  }
0x52: {  	_ = 	snop  }
0x53: {  	[tilespmem:s31], [sflag:$0x1] =	stream.indirect.gather [hbm4b:s3+s10], $0x20, s30, s10, $0xb8;
	[tilespmem:$0x1BD00] =	vst v63  }
0x54: {  	_ = 	snop  }
0x55: {  	[tilespmem:s0], [sflag:$0x1] =	stream.indirect.gather [hbm4b:s3+s10], $0x20, s1, s10, $0xb8;
	[tilespmem:$0x1BD00] =	vst v63  }
0x56: {  	_ = 	snop  }
0x57: {  	[tilespmem:s12], [sflag:$0x1] =	stream.indirect.gather [hbm4b:s3+s10], $0x20, s9, s10, $0xb8;
	[tilespmem:$0x1BD00] =	vst v63  }
0x58: {  	_ = 	snop  }
0x59: {  	[tilespmem:s14], [sflag:$0x1] =	stream.indirect.gather [hbm4b:s3+s10], $0x20, s13, s10, $0xb8;
	[tilespmem:$0x1BD00] =	vst v63  }
0x5a: {  	_ = 	snop  }
0x5b: {  	[tilespmem:s16], [sflag:$0x1] =	stream.indirect.gather [hbm4b:s3+s10], $0x20, s15, s10, $0xb8;
	[tilespmem:$0x1BD00] =	vst v63  }
0x5c: {  	_ =	swait.ge [sflag:s17], $0x1000  }
0x5d: {  	[sflag:s17] =	ssyncset.done $0x0  }
0x5e: {  	[sflag:s17] =	ssyncadd.s32 $0xFFFFF000  }
0x5f: {  	_ =	swait.ge [sflag:s17], $0x1000  }
0x60: {  	[sflag:s17] =	ssyncset.done $0x0  }
0x61: {  	[sflag:s17] =	ssyncadd.s32 $0xFFFFF000  }
0x62: {  	_ =	swait.ge [sflag:s17], $0x1000  }
0x63: {  	[sflag:s17] =	ssyncset.done $0x0  }
0x64: {  	[sflag:s17] =	ssyncadd.s32 $0xFFFFF000  }
0x65: {  	_ =	swait.ge [sflag:s17], $0x1000  }
0x66: {  	[sflag:s17] =	ssyncset.done $0x0  }
0x67: {  	[sflag:s17] =	ssyncadd.s32 $0xFFFFF000  }
0x68: {  	_ =	swait.ge [sflag:s17], $0x1000  }
0x69: {  	[sflag:s17] =	ssyncset.done $0x0  }
0x6a: {  	[sflag:s17] =	ssyncadd.s32 $0xFFFFF000  }
0x6b: {  	_ =	swait.ge [sflag:s17], $0x1000  }
0x6c: {  	[sflag:s17] =	ssyncset.done $0x0  }
0x6d: {  	[sflag:s17] =	ssyncadd.s32 $0xFFFFF000  }
0x6e: {  	_ =	swait.ge [sflag:s17], $0x1000  }
0x6f: {  	[sflag:s17] =	ssyncset.done $0x0  }
0x70: {  	[sflag:s17] =	ssyncadd.s32 $0xFFFFF000  }
0x71: {  	_ =	swait.ge [sflag:s17], $0x1000  }
0x72: {  	[sflag:s17] =	ssyncset.done $0x0  }
0x73: {  	[sflag:s17] =	ssyncadd.s32 $0xFFFFF000  }
0x74: {  	_ =	swait.ge [sflag:s17], $0x1000  }
0x75: {  	[sflag:s17] =	ssyncset.done $0x0  }
0x76: {  	[sflag:s17] =	ssyncadd.s32 $0xFFFFF000  }
0x77: {  	_ =	swait.ge [sflag:s17], $0x1000  }
0x78: {  	[sflag:s17] =	ssyncset.done $0x0  }
0x79: {  	[sflag:s17] =	ssyncadd.s32 $0xFFFFF000  }
0x7a: {  	_ =	swait.ge [sflag:s17], $0x1000  }
0x7b: {  	[sflag:s17] =	ssyncset.done $0x0  }
0x7c: {  	[sflag:s17] =	ssyncadd.s32 $0xFFFFF000  }
0x7d: {  	_ =	swait.ge [sflag:s17], $0x1000  }
0x7e: {  	[sflag:s17] =	ssyncset.done $0x0  }
0x7f: {  	[sflag:s17] =	ssyncadd.s32 $0xFFFFF000  }
0x80: {  	_ =	swait.ge [sflag:s17], $0x1000  }
0x81: {  	[sflag:s17] =	ssyncset.done $0x0  }
0x82: {  	[sflag:s17] =	ssyncadd.s32 $0xFFFFF000  }
0x83: {  	_ =	swait.ge [sflag:s17], $0x1000  }
0x84: {  	[sflag:s17] =	ssyncset.done $0x0  }
0x85: {  	[sflag:s17] =	ssyncadd.s32 $0xFFFFF000  }
0x86: {  	_ =	swait.ge [sflag:s17], $0x1000  }
0x87: {  	[sflag:s17] =	ssyncset.done $0x0  }
0x88: {  	[sflag:s17] =	ssyncadd.s32 $0xFFFFF000  }
0x89: {  	_ =	swait.ge [sflag:s17], $0x1000  }
0x8a: {  	[sflag:s17] =	ssyncset.done $0x0  }
0x8b: {  	[sflag:s17] =	ssyncadd.s32 $0xFFFFF000  }
0x8c: {  	_ =	swait.ge [sflag:s17], $0x1000  }
0x8d: {  	[sflag:s17] =	ssyncset.done $0x0  }
0x8e: {  	[sflag:s17] =	ssyncadd.s32 $0xFFFFF000  }
0x8f: {  	_ =	swait.ge [sflag:s17], $0x1000  }
0x90: {  	[sflag:s17] =	ssyncset.done $0x0  }
0x91: {  	[sflag:s17] =	ssyncadd.s32 $0xFFFFF000  }
0x92: {  	_ =	swait.ge [sflag:s17], $0x1000  }
0x93: {  	[sflag:s17] =	ssyncset.done $0x0  }
0x94: {  	[sflag:s17] =	ssyncadd.s32 $0xFFFFF000  }
0x95: {  	_ =	swait.ge [sflag:s17], $0x1000  }
0x96: {  	[sflag:s17] =	ssyncset.done $0x0  }
0x97: {  	[sflag:s17] =	ssyncadd.s32 $0xFFFFF000  }
0x98: {  	_ =	swait.ge [sflag:s17], $0x1000  }
0x99: {  	[sflag:s17] =	ssyncset.done $0x0  }
0x9a: {  	[sflag:s17] =	ssyncadd.s32 $0xFFFFF000  }
0x9b: {  	_ =	swait.ge [sflag:s17], $0x1000  }
0x9c: {  	[sflag:s17] =	ssyncset.done $0x0  }
0x9d: {  	[sflag:s17] =	ssyncadd.s32 $0xFFFFF000  }
0x9e: {  	_ =	swait.ge [sflag:s17], $0x1000  }
0x9f: {  	[sflag:s17] =	ssyncset.done $0x0  }
0xa0: {  	[sflag:s17] =	ssyncadd.s32 $0xFFFFF000  }
0xa1: {  	_ =	swait.ge [sflag:s17], $0x1000  }
0xa2: {  	[sflag:s17] =	ssyncset.done $0x0  }
0xa3: {  	[sflag:s17] =	ssyncadd.s32 $0xFFFFF000  }
0xa4: {  	_ =	swait.ge [sflag:s17], $0x1000  }
0xa5: {  	[sflag:s17] =	ssyncset.done $0x0  }
0xa6: {  	[sflag:s17] =	ssyncadd.s32 $0xFFFFF000  }
0xa7: {  	_ =	swait.ge [sflag:s17], $0x1000  }
0xa8: {  	[sflag:s17] =	ssyncset.done $0x0  }
0xa9: {  	s20 =	simm.s32 $0x1AD10;
	[sflag:s17] =	ssyncadd.s32 $0xFFFFF000  }
0xaa: {  	s21 =	simm.s32 $0xD00;
	v1 =	vld [tilespmem:s20+$0xFFFFFFF0]  }
.LBB2_4:
0xab: {  	p0 =	sne.s32 s21, $0x67300;
	_ =	sdelay $0x2  }
0xac: {  	s22 =	sshra.s32 s19, $0x2;
	s19 =	smov.u32 s21;
	v2 =	vld [tilespmem:s20+$0x0]  }
0xad: {  	[tilespmem:s22+$0xFE0] =	vst.add.f32.msk $0xffff, v1  }
0xae: {  	[tilespmem:s22+$0xDC0] =	vst.add.f32.msk $0xffff, v1  }
0xaf: {  	[tilespmem:s22+$0xDA0] =	vst.add.f32.msk $0xffff, v1  }
0xb0: {  	[tilespmem:s22+$0xD80] =	vst.add.f32.msk $0xffff, v1  }
0xb1: {  	[tilespmem:s22+$0xDB0] =	vst.add.f32.msk $0xffff, v2  }
0xb2: {  	[tilespmem:s22+$0xD90] =	vst.add.f32.msk $0xffff, v2  }
0xb3: {  	[tilespmem:s22+$0xD70] =	vst.add.f32.msk $0xffff, v2  }
0xb4: {  	[tilespmem:s22+$0xD60] =	vst.add.f32.msk $0xffff, v1  }
0xb5: {  	[tilespmem:s22+$0xD50] =	vst.add.f32.msk $0xffff, v2  }
0xb6: {  	[tilespmem:s22+$0xD40] =	vst.add.f32.msk $0xffff, v1  }
0xb7: {  	[tilespmem:s22+$0xD30] =	vst.add.f32.msk $0xffff, v2  }
0xb8: {  	[tilespmem:s22+$0xD20] =	vst.add.f32.msk $0xffff, v1  }
0xb9: {  	[tilespmem:s22+$0xD10] =	vst.add.f32.msk $0xffff, v2  }
0xba: {  	[tilespmem:s22+$0xD00] =	vst.add.f32.msk $0xffff, v1  }
0xbb: {  	[tilespmem:s22+$0xFF0] =	vst.add.f32.msk $0xffff, v2  }
0xbc: {  	[tilespmem:s22+$0xFD0] =	vst.add.f32.msk $0xffff, v2  }
0xbd: {  	[tilespmem:s22+$0xFC0] =	vst.add.f32.msk $0xffff, v1  }
0xbe: {  	[tilespmem:s22+$0xFB0] =	vst.add.f32.msk $0xffff, v2  }
0xbf: {  	[tilespmem:s22+$0xFA0] =	vst.add.f32.msk $0xffff, v1  }
0xc0: {  	[tilespmem:s22+$0xF90] =	vst.add.f32.msk $0xffff, v2  }
0xc1: {  	[tilespmem:s22+$0xF80] =	vst.add.f32.msk $0xffff, v1  }
0xc2: {  	[tilespmem:s22+$0xF70] =	vst.add.f32.msk $0xffff, v2  }
0xc3: {  	[tilespmem:s22+$0xF60] =	vst.add.f32.msk $0xffff, v1  }
0xc4: {  	[tilespmem:s22+$0xF50] =	vst.add.f32.msk $0xffff, v2  }
0xc5: {  	[tilespmem:s22+$0xF40] =	vst.add.f32.msk $0xffff, v1  }
0xc6: {  	[tilespmem:s22+$0xF30] =	vst.add.f32.msk $0xffff, v2  }
0xc7: {  	[tilespmem:s22+$0xF20] =	vst.add.f32.msk $0xffff, v1  }
0xc8: {  	[tilespmem:s22+$0xF10] =	vst.add.f32.msk $0xffff, v2  }
0xc9: {  	[tilespmem:s22+$0xF00] =	vst.add.f32.msk $0xffff, v1  }
0xca: {  	[tilespmem:s22+$0xEF0] =	vst.add.f32.msk $0xffff, v2  }
0xcb: {  	[tilespmem:s22+$0xEE0] =	vst.add.f32.msk $0xffff, v1  }
0xcc: {  	[tilespmem:s22+$0xED0] =	vst.add.f32.msk $0xffff, v2  }
0xcd: {  	[tilespmem:s22+$0xEC0] =	vst.add.f32.msk $0xffff, v1  }
0xce: {  	[tilespmem:s22+$0xEB0] =	vst.add.f32.msk $0xffff, v2  }
0xcf: {  	[tilespmem:s22+$0xEA0] =	vst.add.f32.msk $0xffff, v1  }
0xd0: {  	[tilespmem:s22+$0xE90] =	vst.add.f32.msk $0xffff, v2  }
0xd1: {  	[tilespmem:s22+$0xE80] =	vst.add.f32.msk $0xffff, v1  }
0xd2: {  	[tilespmem:s22+$0xE70] =	vst.add.f32.msk $0xffff, v2  }
0xd3: {  	[tilespmem:s22+$0xE60] =	vst.add.f32.msk $0xffff, v1  }
0xd4: {  	[tilespmem:s22+$0xE50] =	vst.add.f32.msk $0xffff, v2  }
0xd5: {  	[tilespmem:s22+$0xE40] =	vst.add.f32.msk $0xffff, v1  }
0xd6: {  	[tilespmem:s22+$0xE30] =	vst.add.f32.msk $0xffff, v2  }
0xd7: {  	[tilespmem:s22+$0xE20] =	vst.add.f32.msk $0xffff, v1  }
0xd8: {  	[tilespmem:s22+$0xE10] =	vst.add.f32.msk $0xffff, v2  }
0xd9: {  	[tilespmem:s22+$0xE00] =	vst.add.f32.msk $0xffff, v1  }
0xda: {  	[tilespmem:s22+$0xDF0] =	vst.add.f32.msk $0xffff, v2  }
0xdb: {  	[tilespmem:s22+$0xDE0] =	vst.add.f32.msk $0xffff, v1  }
0xdc: {  	[tilespmem:s22+$0xDD0] =	vst.add.f32.msk $0xffff, v2  }
.Ltmp1:
0xdd: {  	[tilespmem:s22+$0x1000] =	vst.add.f32.msk $0xffff, v1;
	(pc) =	sbr.rel @p0 .LBB2_4-.Ltmp1, $4  }
0xde: {  	[tilespmem:s22+$0x1010] =	vst.add.f32.msk $0xffff, v2  }
0xdf: {  	[tilespmem:s22+$0x1020] =	vst.add.f32.msk $0xffff, v1  }
0xe0: {  	s20 =	sadd.s32 $0x20, s20;
	[tilespmem:s22+$0x1030] =	vst.add.f32.msk $0xffff, v2  }
0xe1: {  	s21 =	sadd.s32 $0xD00, s21;
	v1 =	vld [tilespmem:s20+$0xFFFFFFF0]  }
0xe2: {  	_ =	sdelay $0x2  }
0xe3: {  	v2 =	vld [tilespmem:s20+$0x0];
	s19 =	sshra.s32 s19, $0x2  }
0xe4: {  	[tilespmem:s19+$0xFE0] =	vst.add.f32.msk $0xffff, v1  }
0xe5: {  	[tilespmem:s19+$0xDC0] =	vst.add.f32.msk $0xffff, v1  }
0xe6: {  	[tilespmem:s19+$0xDA0] =	vst.add.f32.msk $0xffff, v1  }
0xe7: {  	[tilespmem:s19+$0xD80] =	vst.add.f32.msk $0xffff, v1  }
0xe8: {  	[tilespmem:s19+$0xD60] =	vst.add.f32.msk $0xffff, v1  }
0xe9: {  	[tilespmem:s19+$0xD40] =	vst.add.f32.msk $0xffff, v1  }
0xea: {  	[tilespmem:s19+$0xD20] =	vst.add.f32.msk $0xffff, v1  }
0xeb: {  	[tilespmem:s19+$0xD00] =	vst.add.f32.msk $0xffff, v1  }
0xec: {  	[tilespmem:s19+$0xFC0] =	vst.add.f32.msk $0xffff, v1  }
0xed: {  	[tilespmem:s19+$0xFA0] =	vst.add.f32.msk $0xffff, v1  }
0xee: {  	[tilespmem:s19+$0xF80] =	vst.add.f32.msk $0xffff, v1  }
0xef: {  	[tilespmem:s19+$0xF60] =	vst.add.f32.msk $0xffff, v1  }
0xf0: {  	[tilespmem:s19+$0xF40] =	vst.add.f32.msk $0xffff, v1  }
0xf1: {  	[tilespmem:s19+$0xF20] =	vst.add.f32.msk $0xffff, v1  }
0xf2: {  	[tilespmem:s19+$0xF00] =	vst.add.f32.msk $0xffff, v1  }
0xf3: {  	[tilespmem:s19+$0xEE0] =	vst.add.f32.msk $0xffff, v1  }
0xf4: {  	[tilespmem:s19+$0xEC0] =	vst.add.f32.msk $0xffff, v1  }
0xf5: {  	[tilespmem:s19+$0xEA0] =	vst.add.f32.msk $0xffff, v1  }
0xf6: {  	[tilespmem:s19+$0xE80] =	vst.add.f32.msk $0xffff, v1  }
0xf7: {  	[tilespmem:s19+$0xE60] =	vst.add.f32.msk $0xffff, v1  }
0xf8: {  	[tilespmem:s19+$0xE40] =	vst.add.f32.msk $0xffff, v1  }
0xf9: {  	[tilespmem:s19+$0xE20] =	vst.add.f32.msk $0xffff, v1  }
0xfa: {  	[tilespmem:s19+$0xE00] =	vst.add.f32.msk $0xffff, v1  }
0xfb: {  	[tilespmem:s19+$0xDE0] =	vst.add.f32.msk $0xffff, v1  }
0xfc: {  	[tilespmem:s19+$0x1000] =	vst.add.f32.msk $0xffff, v1  }
0xfd: {  	[tilespmem:s19+$0x1020] =	vst.add.f32.msk $0xffff, v1  }
0xfe: {  	[tilespmem:s19+$0xDB0] =	vst.add.f32.msk $0xffff, v2  }
0xff: {  	[tilespmem:s19+$0xD90] =	vst.add.f32.msk $0xffff, v2  }
0x100: {  	[tilespmem:s19+$0xD70] =	vst.add.f32.msk $0xffff, v2  }
0x101: {  	[tilespmem:s19+$0xD50] =	vst.add.f32.msk $0xffff, v2  }
0x102: {  	[tilespmem:s19+$0xD30] =	vst.add.f32.msk $0xffff, v2  }
0x103: {  	[tilespmem:s19+$0xD10] =	vst.add.f32.msk $0xffff, v2  }
0x104: {  	[tilespmem:s19+$0xFF0] =	vst.add.f32.msk $0xffff, v2  }
0x105: {  	[tilespmem:s19+$0xFD0] =	vst.add.f32.msk $0xffff, v2  }
0x106: {  	[tilespmem:s19+$0xFB0] =	vst.add.f32.msk $0xffff, v2  }
0x107: {  	[tilespmem:s19+$0xF90] =	vst.add.f32.msk $0xffff, v2  }
0x108: {  	[tilespmem:s19+$0xF70] =	vst.add.f32.msk $0xffff, v2  }
0x109: {  	[tilespmem:s19+$0xF50] =	vst.add.f32.msk $0xffff, v2  }
0x10a: {  	[tilespmem:s19+$0xF30] =	vst.add.f32.msk $0xffff, v2  }
0x10b: {  	[tilespmem:s19+$0xF10] =	vst.add.f32.msk $0xffff, v2  }
0x10c: {  	[tilespmem:s19+$0xEF0] =	vst.add.f32.msk $0xffff, v2  }
0x10d: {  	[tilespmem:s19+$0xED0] =	vst.add.f32.msk $0xffff, v2  }
0x10e: {  	[tilespmem:s19+$0xEB0] =	vst.add.f32.msk $0xffff, v2  }
0x10f: {  	[tilespmem:s19+$0xE90] =	vst.add.f32.msk $0xffff, v2  }
0x110: {  	[tilespmem:s19+$0xE70] =	vst.add.f32.msk $0xffff, v2  }
0x111: {  	[tilespmem:s19+$0xE50] =	vst.add.f32.msk $0xffff, v2  }
0x112: {  	[tilespmem:s19+$0xE30] =	vst.add.f32.msk $0xffff, v2  }
0x113: {  	[tilespmem:s19+$0xE10] =	vst.add.f32.msk $0xffff, v2  }
0x114: {  	[tilespmem:s19+$0xDF0] =	vst.add.f32.msk $0xffff, v2  }
0x115: {  	s18 =	sadd.s32 $0x1, s18;
	[tilespmem:s19+$0xDD0] =	vst.add.f32.msk $0xffff, v2  }
0x116: {  	p0 =	sne.s32 s18, s7;
	[tilespmem:s19+$0x1010] =	vst.add.f32.msk $0xffff, v2  }
.Ltmp2:
0x117: {  	[tilespmem:s19+$0x1030] =	vst.add.f32.msk $0xffff, v2;
	(pc) =	sbr.rel @p0 .LBB2_1-.Ltmp2, $4  }
0x118: {  	[hbm4b:s6+s2] =	stream.linear.scatter [tilespmem:s11], [sflag:$0x2], $0x1A000, $0x38;
	[tilespmem:$0x1BD00] =	vst v63  }
0x119: {  	_ =	swait.ge [sflag:s8], $0x1A000  }
0x11a: {  	[sflag:s8] =	ssyncset.done $0x0  }
0x11b: {  	[sflag:s8] =	ssyncadd.s32 $0xFFFE6000  }
0x11c: {  	_ =	sfence.sel $0x180000  }
0x11d: {  	[bflag:$0x0] =	sbarrier.arrive $0xFFFF  }
0x11e: {  	_ =	strace $0x90000047  }
0x11f: {  	s0 =	stileid.u32;
	[bflag:$0x2] =	sbarrier.arrive $0xFFFF  }
0x120: {  	p0 =	sne.s32 s0, $0x0;
	s0 =	rddreg [dreg:$0x2]  }
0x121: {  	s0 =	sadd.s32 @!p0 $0x100000, s0  }
0x122: {  	[sflag:s0] =	ssyncadd.tile.s32 @!p0 $0x1;
	_ =	shalt  }
.Lfunc_end2:
_tile_overlayer_lowered:
.L_overlay_start_2:
0x123: {  	(tag) =	ssettag $0x2  }
0x124: {  	s0 =	rddreg [dreg:$0x0];
	s2 =	stileid.u32  }
0x125: {  	s1 =	rddreg [dreg:$0x1];
	p0 =	sne.s32 s2, $0x0  }
0x126: {  	s3 =	rddreg [dreg:$0x2];
	[bflag:$0x3] =	sbarrier.arrive $0xFFFF;
	s2 =	simm.s32 @!p0 $0x1C02  }
0x127: {  	[timem:s3], [sflag:s2] =	dma.local @!p0 [hbm:s0], s1  }
0x128: {  	s0 =	simm.s32 @!p0 $0x2  }
0x129: {  	_ =	swait.ge @!p0 [sflag:s0], s1  }
0x12a: {  	s1 =	ssub.s32 @!p0 $0x0, s1;
	[sflag:s0] =	ssyncset.done @!p0 $0x0  }
0x12b: {  	[sflag:s0] =	ssyncadd.s32 @!p0 s1  }
0x12c: {  	[bflag:$0x3] =	sbarrier.arrive $0xFFFF  }
0x12d: {  	_ =	shalt  }

</sc_bundles>
